<compile_context>
chip_gen: v7x
topology: tpu7x:2x2x1
jax: 0.10.2.dev20260603
libtpu: 0.0.44.dev20260713+nightly
codegen_flags: <defaults>
</compile_context>

<pallas_src>
import functools

import jax
import jax.numpy as jnp
from jax import lax
from jax.experimental import pallas as pl
from jax.experimental.pallas import tpu as pltpu
from jax.experimental.pallas import tpu_sc as plsc

N = 10000
E = 320000
D = 128
W = D // 2
NC = 2
NS = 16
NW = NC * NS
EPW = E // NW
C = 128
NCHUNK = EPW // C
CT = EPW - NCHUNK * C
NT = NCHUNK // 2
LANES = 16
GROUPS = D // (2 * LANES)


def _f32_lo(w):
    return lax.bitcast_convert_type(lax.shift_left(w, 16), jnp.float32)


def _f32_hi(w):
    return lax.bitcast_convert_type(lax.bitwise_and(w, -65536), jnp.float32)


def _avg(a_ref, b_ref, o_ref, rows):
    @plsc.parallel_loop(0, rows, unroll=2)
    def row_body(r):
        for g in range(GROUPS):
            wa = a_ref[r, pl.ds(g * LANES, LANES)]
            wb = b_ref[r, pl.ds(g * LANES, LANES)]
            o_ref[r, pl.ds(g * 2 * LANES, LANES)] = _f32_lo(wa) + _f32_lo(wb)
            o_ref[r, pl.ds(g * 2 * LANES + LANES, LANES)] = _f32_hi(wa) + _f32_hi(wb)


@functools.partial(
    pl.kernel,
    out_type=jax.ShapeDtypeStruct((N + E, D), jnp.float32),
    mesh=plsc.VectorSubcoreMesh(core_axis_name="c", subcore_axis_name="s"),
    compiler_params=pltpu.CompilerParams(use_tc_tiling_on_sc=False),
    scratch_types=[
        pltpu.VMEM((EPW,), jnp.int32),
        pltpu.VMEM((EPW,), jnp.int32),
        pltpu.VMEM((C, W), jnp.int32),
        pltpu.VMEM((C, W), jnp.int32),
        pltpu.VMEM((C, D), jnp.float32),
        pltpu.VMEM((C, W), jnp.int32),
        pltpu.VMEM((C, W), jnp.int32),
        pltpu.VMEM((C, D), jnp.float32),
        pltpu.SemaphoreType.DMA,
        pltpu.SemaphoreType.DMA,
        pltpu.SemaphoreType.DMA,
        pltpu.SemaphoreType.DMA,
        pltpu.SemaphoreType.DMA,
    ],
)
def _gunpool(x_hbm, xb_hbm, src_hbm, dst_hbm, out_hbm,
             src_all, dst_all, a0, b0, o0, a1, b1, o1,
             sem_g0, sem_g1, sem_s0, sem_s1, sem_x):
    cid = lax.axis_index("c")
    sid = lax.axis_index("s")
    wid = sid * NC + cid
    ebase = wid * EPW
    obase = N + ebase

    @pl.when(wid < 2)
    def _copy_x_big():
        off = wid * 320
        pltpu.async_copy(x_hbm.at[pl.ds(off, 320)], out_hbm.at[pl.ds(off, 320)], sem_x)

    @pl.when(wid >= 2)
    def _copy_x_small():
        off = 640 + (wid - 2) * 312
        pltpu.async_copy(x_hbm.at[pl.ds(off, 312)], out_hbm.at[pl.ds(off, 312)], sem_x)

    pltpu.sync_copy(src_hbm.at[pl.ds(ebase, EPW)], src_all)
    pltpu.sync_copy(dst_hbm.at[pl.ds(ebase, EPW)], dst_all)

    def fire_gather(off, n, a_buf, b_buf, sem):
        pltpu.async_copy(xb_hbm.at[src_all.at[pl.ds(off, n)]], a_buf, sem)
        pltpu.async_copy(xb_hbm.at[dst_all.at[pl.ds(off, n)]], b_buf, sem)

    def wait_gather(off, n, a_buf, b_buf, sem):
        pltpu.make_async_copy(xb_hbm.at[src_all.at[pl.ds(off, n)]], a_buf, sem).wait()
        pltpu.make_async_copy(xb_hbm.at[dst_all.at[pl.ds(off, n)]], b_buf, sem).wait()

    fire_gather(0, C, a0, b0, sem_g0)

    def body(t, carry):
        off0 = (2 * t) * C
        off1 = off0 + C
        off2 = off1 + C

        fire_gather(off1, C, a1, b1, sem_g1)

        wait_gather(off0, C, a0, b0, sem_g0)

        _avg(a0, b0, o0, C)

        @pl.when(t < NT - 1)
        def _prefetch_next():
            fire_gather(off2, C, a0, b0, sem_g0)

        wait_gather(off1, C, a1, b1, sem_g1)

        _avg(a1, b1, o1, C)
        return carry

    lax.fori_loop(0, NT, body, 0)

    offt = NCHUNK * C
    at = a0.at[pl.ds(0, CT)]
    bt = b0.at[pl.ds(0, CT)]
    ot = o0.at[pl.ds(0, CT)]
    fire_gather(offt, CT, at, bt, sem_g0)
    wait_gather(offt, CT, at, bt, sem_g0)
    _avg(at, bt, ot, CT)

    @pl.when(wid < 2)
    def _drain_x_big():
        off = wid * 320
        pltpu.make_async_copy(
            x_hbm.at[pl.ds(off, 320)], out_hbm.at[pl.ds(off, 320)], sem_x).wait()

    @pl.when(wid >= 2)
    def _drain_x_small():
        off = 640 + (wid - 2) * 312
        pltpu.make_async_copy(
            x_hbm.at[pl.ds(off, 312)], out_hbm.at[pl.ds(off, 312)], sem_x).wait()


def kernel(x, edge_index):
    xf = x[0]
    xb_i32 = jax.lax.bitcast_convert_type(xf[:, :W], jnp.int32)
    out = _gunpool(xf, xb_i32, edge_index[0], edge_index[1])
    return out[None]

# --- scband reference (transcript-rebuilt; emitter-appended) ---
"""Pipeline reference for scband-gunpooling-45217415692702 (READ-ONLY COPY).

The authoritative reference and input builder live on the scoring server;
editing this copy changes nothing except your own understanding.
"""

import jax, jax.numpy as jnp
import numpy as np


def setup_inputs(seed: int = 0) -> dict:
    key = jax.random.key(seed)
    k1, k2 = jax.random.split(key)
    x = jax.random.normal(k1, (1, 10000, 128), dtype=jnp.float32)
    edge_index = jax.random.randint(k2, (2, 320000), 0, 10000, dtype=jnp.int32)
    return {"x": x, "edge_index": edge_index}


def reference(x, edge_index):
    # edge_index: [2, E] -> idx: [E, 2]
    idx = edge_index.T
    # gather endpoint features: [B, E, 2, d]
    new_features = x[:, idx]
    # midpoint of each edge's endpoints: [B, E, d]
    new_vertices = 0.5 * new_features.sum(axis=2)
    # concat original verts with new midpoint verts along the vertex dim
    output = jnp.concatenate([x, new_vertices], axis=1)
    return output

if __name__ == "__main__":
    import jax
    _d = setup_inputs()
    print(jax.jit(kernel)(*tuple(_d.values())))

</pallas_src>

<mosaic_0001>
#map = affine_map<(d0, d1) -> (0, 0)>
#map1 = affine_map<(d0, d1) -> (0)>
module attributes {stable_mosaic.version = 14 : i64} {
  func.func @_gunpool(%arg0: i32, %arg1: i32, %arg2: memref<10000x128xf32, #tpu.memory_space<hbm>>, %arg3: memref<10000x64xi32, #tpu.memory_space<hbm>>, %arg4: memref<320000xi32, #tpu.memory_space<hbm>>, %arg5: memref<320000xi32, #tpu.memory_space<hbm>>, %arg6: memref<330000x128xf32, #tpu.memory_space<hbm>>, %arg7: memref<10000xi32, #tpu.memory_space<vmem>>, %arg8: memref<10000xi32, #tpu.memory_space<vmem>>, %arg9: memref<128x64xi32, #tpu.memory_space<vmem>>, %arg10: memref<128x64xi32, #tpu.memory_space<vmem>>, %arg11: memref<128x128xf32, #tpu.memory_space<vmem>>, %arg12: memref<128x64xi32, #tpu.memory_space<vmem>>, %arg13: memref<128x64xi32, #tpu.memory_space<vmem>>, %arg14: memref<128x128xf32, #tpu.memory_space<vmem>>, %arg15: memref<!tpu.dma_semaphore, #tpu.memory_space<semaphore_mem>>, %arg16: memref<!tpu.dma_semaphore, #tpu.memory_space<semaphore_mem>>, %arg17: memref<!tpu.dma_semaphore, #tpu.memory_space<semaphore_mem>>, %arg18: memref<!tpu.dma_semaphore, #tpu.memory_space<semaphore_mem>>, %arg19: memref<!tpu.dma_semaphore, #tpu.memory_space<semaphore_mem>>) attributes {dimension_semantics = [#tpu.dimension_semantics<core_parallel>, #tpu.dimension_semantics<subcore_parallel>], iteration_bounds = array<i64: 2, 16>, scalar_prefetch = 0 : i64, scratch_operands = 13 : i64, tpu.core_type = #tpu.core_type<sc_vector_subcore>, window_params = [{transform_indices = #map}, {transform_indices = #map}, {transform_indices = #map1}, {transform_indices = #map1}, {transform_indices = #map}]} {
    %mul3A = arith.constant 2 : i32
    %mul3A_0 = arith.muli %arg1, %mul3A : i32
    %add3A = arith.addi %mul3A_0, %arg0 : i32
    %mul3A_1 = arith.constant 10000 : i32
    %mul3A_2 = arith.muli %add3A, %mul3A_1 : i32
    %add3A_3 = arith.constant 10000 : i32
    %add3A_4 = arith.addi %add3A_3, %mul3A_2 : i32
    %lt3A = arith.constant 2 : i32
    %lt3A_5 = arith.cmpi slt, %add3A, %lt3A : i32
    %convert_element_type3A = arith.extui %lt3A_5 : i1 to i32
    %cond3A = arith.constant 0 : i32
    %cond3A_6 = arith.cmpi ne, %convert_element_type3A, %cond3A : i32
    scf.if %cond3A_6 {
      %mul3A_68 = arith.constant 320 : i32
      %mul3A_69 = arith.muli %add3A, %mul3A_68 : i32
      %dma_start3A_70 = arith.constant 0 : i32
      %dma_start3A_71 = tpu.memref_slice %arg6[%mul3A_69, %dma_start3A_70] : memref<330000x128xf32, #tpu.memory_space<hbm>> -> memref<320x128xf32, #tpu.memory_space<hbm>>
      %dma_start3A_72 = arith.constant 0 : i32
      %dma_start3A_73 = tpu.memref_slice %arg2[%mul3A_69, %dma_start3A_72] : memref<10000x128xf32, #tpu.memory_space<hbm>> -> memref<320x128xf32, #tpu.memory_space<hbm>>
      tpu.enqueue_dma source(%dma_start3A_73 : memref<320x128xf32, #tpu.memory_space<hbm>>) target(%dma_start3A_71 : memref<320x128xf32, #tpu.memory_space<hbm>>) target_semaphore(%arg19 : memref<!tpu.dma_semaphore, #tpu.memory_space<semaphore_mem>>)
    } else {
    }
    %ge3A = arith.constant 2 : i32
    %ge3A_7 = arith.cmpi sge, %add3A, %ge3A : i32
    %convert_element_type3A_8 = arith.extui %ge3A_7 : i1 to i32
    %cond3A_9 = arith.constant 0 : i32
    %cond3A_10 = arith.cmpi ne, %convert_element_type3A_8, %cond3A_9 : i32
    scf.if %cond3A_10 {
      %sub3A = arith.constant 2 : i32
      %sub3A_68 = arith.subi %add3A, %sub3A : i32
      %mul3A_69 = arith.constant 312 : i32
      %mul3A_70 = arith.muli %sub3A_68, %mul3A_69 : i32
      %add3A_71 = arith.constant 640 : i32
      %add3A_72 = arith.addi %add3A_71, %mul3A_70 : i32
      %dma_start3A_73 = arith.constant 0 : i32
      %dma_start3A_74 = tpu.memref_slice %arg6[%add3A_72, %dma_start3A_73] : memref<330000x128xf32, #tpu.memory_space<hbm>> -> memref<312x128xf32, #tpu.memory_space<hbm>>
      %dma_start3A_75 = arith.constant 0 : i32
      %dma_start3A_76 = tpu.memref_slice %arg2[%add3A_72, %dma_start3A_75] : memref<10000x128xf32, #tpu.memory_space<hbm>> -> memref<312x128xf32, #tpu.memory_space<hbm>>
      tpu.enqueue_dma source(%dma_start3A_76 : memref<312x128xf32, #tpu.memory_space<hbm>>) target(%dma_start3A_74 : memref<312x128xf32, #tpu.memory_space<hbm>>) target_semaphore(%arg19 : memref<!tpu.dma_semaphore, #tpu.memory_space<semaphore_mem>>)
    } else {
    }
    "tpu.region"() ({
      %run_scoped3A = tpu.sem_alloc : memref<!tpu.dma_semaphore, #tpu.memory_space<semaphore_mem>>
      %dma_start3A_68 = tpu.memref_slice %arg4[%mul3A_2] : memref<320000xi32, #tpu.memory_space<hbm>> -> memref<10000xi32, #tpu.memory_space<hbm>>
      %dma_start3A_69 = tpu.memref_slice %arg4[%mul3A_2] : memref<320000xi32, #tpu.memory_space<hbm>> -> memref<10000xi32, #tpu.memory_space<hbm>>
      tpu.enqueue_dma source(%dma_start3A_69 : memref<10000xi32, #tpu.memory_space<hbm>>) target(%arg7 : memref<10000xi32, #tpu.memory_space<vmem>>) target_semaphore(%run_scoped3A : memref<!tpu.dma_semaphore, #tpu.memory_space<semaphore_mem>>)
      %dma_wait3A_70 = tpu.memref_slice %arg4[%mul3A_2] : memref<320000xi32, #tpu.memory_space<hbm>> -> memref<10000xi32, #tpu.memory_space<hbm>>
      %dma_wait3A_71 = tpu.memref_slice %arg4[%mul3A_2] : memref<320000xi32, #tpu.memory_space<hbm>> -> memref<10000xi32, #tpu.memory_space<hbm>>
      tpu.wait_dma2 semaphore(%run_scoped3A : memref<!tpu.dma_semaphore, #tpu.memory_space<semaphore_mem>>) src(%dma_wait3A_71 : memref<10000xi32, #tpu.memory_space<hbm>>) dst(%arg7 : memref<10000xi32, #tpu.memory_space<vmem>>)
      tpu.yield
    }) : () -> ()
    "tpu.region"() ({
      %run_scoped3A = tpu.sem_alloc : memref<!tpu.dma_semaphore, #tpu.memory_space<semaphore_mem>>
      %dma_start3A_68 = tpu.memref_slice %arg5[%mul3A_2] : memref<320000xi32, #tpu.memory_space<hbm>> -> memref<10000xi32, #tpu.memory_space<hbm>>
      %dma_start3A_69 = tpu.memref_slice %arg5[%mul3A_2] : memref<320000xi32, #tpu.memory_space<hbm>> -> memref<10000xi32, #tpu.memory_space<hbm>>
      tpu.enqueue_dma source(%dma_start3A_69 : memref<10000xi32, #tpu.memory_space<hbm>>) target(%arg8 : memref<10000xi32, #tpu.memory_space<vmem>>) target_semaphore(%run_scoped3A : memref<!tpu.dma_semaphore, #tpu.memory_space<semaphore_mem>>)
      %dma_wait3A_70 = tpu.memref_slice %arg5[%mul3A_2] : memref<320000xi32, #tpu.memory_space<hbm>> -> memref<10000xi32, #tpu.memory_space<hbm>>
      %dma_wait3A_71 = tpu.memref_slice %arg5[%mul3A_2] : memref<320000xi32, #tpu.memory_space<hbm>> -> memref<10000xi32, #tpu.memory_space<hbm>>
      tpu.wait_dma2 semaphore(%run_scoped3A : memref<!tpu.dma_semaphore, #tpu.memory_space<semaphore_mem>>) src(%dma_wait3A_71 : memref<10000xi32, #tpu.memory_space<hbm>>) dst(%arg8 : memref<10000xi32, #tpu.memory_space<vmem>>)
      tpu.yield
    }) : () -> ()
    %dma_start3A = arith.constant 0 : i32
    %dma_start3A_11 = tpu.memref_slice %arg7[%dma_start3A] : memref<10000xi32, #tpu.memory_space<vmem>> -> memref<128xi32, #tpu.memory_space<vmem>>
    %dma_start3A_12 = arith.constant 0 : i32
    %dma_start3A_13 = arith.constant 0 : i32
    %dma_start3A_14 = tpu.memref_slice %arg3[%dma_start3A_12, %dma_start3A_13] : memref<10000x64xi32, #tpu.memory_space<hbm>> -> memref<10000x64xi32, #tpu.memory_space<hbm>>
    tpu.enqueue_indirect_dma source(%dma_start3A_14 : memref<10000x64xi32, #tpu.memory_space<hbm>>) target(%arg9 : memref<128x64xi32, #tpu.memory_space<vmem>>) offsets(%dma_start3A_11 : memref<128xi32, #tpu.memory_space<vmem>>) semaphore(%arg15 : memref<!tpu.dma_semaphore, #tpu.memory_space<semaphore_mem>>)
    %dma_start3A_15 = arith.constant 0 : i32
    %dma_start3A_16 = tpu.memref_slice %arg8[%dma_start3A_15] : memref<10000xi32, #tpu.memory_space<vmem>> -> memref<128xi32, #tpu.memory_space<vmem>>
    %dma_start3A_17 = arith.constant 0 : i32
    %dma_start3A_18 = arith.constant 0 : i32
    %dma_start3A_19 = tpu.memref_slice %arg3[%dma_start3A_17, %dma_start3A_18] : memref<10000x64xi32, #tpu.memory_space<hbm>> -> memref<10000x64xi32, #tpu.memory_space<hbm>>
    tpu.enqueue_indirect_dma source(%dma_start3A_19 : memref<10000x64xi32, #tpu.memory_space<hbm>>) target(%arg10 : memref<128x64xi32, #tpu.memory_space<vmem>>) offsets(%dma_start3A_16 : memref<128xi32, #tpu.memory_space<vmem>>) semaphore(%arg15 : memref<!tpu.dma_semaphore, #tpu.memory_space<semaphore_mem>>)
    %scan3A = arith.constant 0 : i32
    %scan3A_20 = arith.constant 0 : i32
    %scan3A_21 = arith.constant 39 : i32
    %scan3A_22 = arith.addi %scan3A_20, %scan3A_21 : i32
    %scan3A_23 = arith.constant 1 : i32
    scf.for %scan3A_68 = %scan3A_20 to %scan3A_22 step %scan3A_23  : i32 {
      %mul3A_69 = arith.constant 2 : i32
      %mul3A_70 = arith.muli %mul3A_69, %scan3A_68 : i32
      %mul3A_71 = arith.constant 128 : i32
      %mul3A_72 = arith.muli %mul3A_70, %mul3A_71 : i32
      %add3A_73 = arith.constant 128 : i32
      %add3A_74 = arith.addi %mul3A_72, %add3A_73 : i32
      %add3A_75 = arith.constant 128 : i32
      %add3A_76 = arith.addi %add3A_74, %add3A_75 : i32
      %dma_start3A_77 = tpu.memref_slice %arg7[%add3A_74] : memref<10000xi32, #tpu.memory_space<vmem>> -> memref<128xi32, #tpu.memory_space<vmem>>
      %dma_start3A_78 = arith.constant 0 : i32
      %dma_start3A_79 = arith.constant 0 : i32
      %dma_start3A_80 = tpu.memref_slice %arg3[%dma_start3A_78, %dma_start3A_79] : memref<10000x64xi32, #tpu.memory_space<hbm>> -> memref<10000x64xi32, #tpu.memory_space<hbm>>
      tpu.enqueue_indirect_dma source(%dma_start3A_80 : memref<10000x64xi32, #tpu.memory_space<hbm>>) target(%arg12 : memref<128x64xi32, #tpu.memory_space<vmem>>) offsets(%dma_start3A_77 : memref<128xi32, #tpu.memory_space<vmem>>) semaphore(%arg16 : memref<!tpu.dma_semaphore, #tpu.memory_space<semaphore_mem>>)
      %dma_start3A_81 = tpu.memref_slice %arg8[%add3A_74] : memref<10000xi32, #tpu.memory_space<vmem>> -> memref<128xi32, #tpu.memory_space<vmem>>
      %dma_start3A_82 = arith.constant 0 : i32
      %dma_start3A_83 = arith.constant 0 : i32
      %dma_start3A_84 = tpu.memref_slice %arg3[%dma_start3A_82, %dma_start3A_83] : memref<10000x64xi32, #tpu.memory_space<hbm>> -> memref<10000x64xi32, #tpu.memory_space<hbm>>
      tpu.enqueue_indirect_dma source(%dma_start3A_84 : memref<10000x64xi32, #tpu.memory_space<hbm>>) target(%arg13 : memref<128x64xi32, #tpu.memory_space<vmem>>) offsets(%dma_start3A_81 : memref<128xi32, #tpu.memory_space<vmem>>) semaphore(%arg16 : memref<!tpu.dma_semaphore, #tpu.memory_space<semaphore_mem>>)
      %dma_wait3A_85 = tpu.memref_slice %arg7[%mul3A_72] : memref<10000xi32, #tpu.memory_space<vmem>> -> memref<128xi32, #tpu.memory_space<vmem>>
      %dma_wait3A_86 = arith.constant 0 : i32
      %dma_wait3A_87 = arith.constant 0 : i32
      %dma_wait3A_88 = tpu.memref_slice %arg3[%dma_wait3A_86, %dma_wait3A_87] : memref<10000x64xi32, #tpu.memory_space<hbm>> -> memref<10000x64xi32, #tpu.memory_space<hbm>>
      tpu.wait_indirect_dma semaphore(%arg15 : memref<!tpu.dma_semaphore, #tpu.memory_space<semaphore_mem>>) src(%dma_wait3A_88 : memref<10000x64xi32, #tpu.memory_space<hbm>>) dst(%arg9 : memref<128x64xi32, #tpu.memory_space<vmem>>)
      %dma_wait3A_89 = tpu.memref_slice %arg8[%mul3A_72] : memref<10000xi32, #tpu.memory_space<vmem>> -> memref<128xi32, #tpu.memory_space<vmem>>
      %dma_wait3A_90 = arith.constant 0 : i32
      %dma_wait3A_91 = arith.constant 0 : i32
      %dma_wait3A_92 = tpu.memref_slice %arg3[%dma_wait3A_90, %dma_wait3A_91] : memref<10000x64xi32, #tpu.memory_space<hbm>> -> memref<10000x64xi32, #tpu.memory_space<hbm>>
      tpu.wait_indirect_dma semaphore(%arg15 : memref<!tpu.dma_semaphore, #tpu.memory_space<semaphore_mem>>) src(%dma_wait3A_92 : memref<10000x64xi32, #tpu.memory_space<hbm>>) dst(%arg10 : memref<128x64xi32, #tpu.memory_space<vmem>>)
      %parallel_loop3A_93 = arith.constant 0 : i32
      %parallel_loop3A_94 = arith.constant 128 : i32
      %parallel_loop3A_95 = arith.constant 1 : i32
      scf.for %parallel_loop3A_112 = %parallel_loop3A_93 to %parallel_loop3A_94 step %parallel_loop3A_95  : i32 {
        %parallel_loop3A_113 = arith.index_cast %parallel_loop3A_112 : i32 to index
        %parallel_loop3A_114 = arith.constant 0 : index
        %parallel_loop3A_115 = tpu.vector_load %arg9[%parallel_loop3A_113, %parallel_loop3A_114] {strides = array<i32>} : memref<128x64xi32, #tpu.memory_space<vmem>>, vector<1x16xi32>,
        %parallel_loop3A_116 = vector.shape_cast %parallel_loop3A_115 : vector<1x16xi32> to vector<16xi32>
        %parallel_loop3A_117 = arith.index_cast %parallel_loop3A_112 : i32 to index
        %parallel_loop3A_118 = arith.constant 0 : index
        %parallel_loop3A_119 = tpu.vector_load %arg10[%parallel_loop3A_117, %parallel_loop3A_118] {strides = array<i32>} : memref<128x64xi32, #tpu.memory_space<vmem>>, vector<1x16xi32>,
        %parallel_loop3A_120 = vector.shape_cast %parallel_loop3A_119 : vector<1x16xi32> to vector<16xi32>
        %parallel_loop3A_121 = arith.constant 16 : i32
        %parallel_loop3A_122 = vector.broadcast %parallel_loop3A_121 : i32 to vector<16xi32>
        %parallel_loop3A_123 = arith.shli %parallel_loop3A_116, %parallel_loop3A_122 : vector<16xi32>
        %parallel_loop3A_124 = tpu.bitcast %parallel_loop3A_123 : vector<16xi32> -> vector<16xf32>
        %parallel_loop3A_125 = arith.constant 16 : i32
        %parallel_loop3A_126 = vector.broadcast %parallel_loop3A_125 : i32 to vector<16xi32>
        %parallel_loop3A_127 = arith.shli %parallel_loop3A_120, %parallel_loop3A_126 : vector<16xi32>
        %parallel_loop3A_128 = tpu.bitcast %parallel_loop3A_127 : vector<16xi32> -> vector<16xf32>
        %parallel_loop3A_129 = arith.addf %parallel_loop3A_124, %parallel_loop3A_128 : vector<16xf32>
        %parallel_loop3A_130 = arith.index_cast %parallel_loop3A_112 : i32 to index
        %parallel_loop3A_131 = arith.constant 0 : index
        %parallel_loop3A_132 = tpu.vector_load %arg11[%parallel_loop3A_130, %parallel_loop3A_131] {strides = array<i32>} : memref<128x128xf32, #tpu.memory_space<vmem>>, vector<1x16xf32>,
        %parallel_loop3A_133 = vector.shape_cast %parallel_loop3A_132 : vector<1x16xf32> to vector<16xf32>
        %parallel_loop3A_134 = vector.shape_cast %parallel_loop3A_129 : vector<16xf32> to vector<1x16xf32>
        tpu.vector_store %arg11[%parallel_loop3A_130, %parallel_loop3A_131], %parallel_loop3A_134 {strides = array<i32>} : memref<128x128xf32, #tpu.memory_space<vmem>>, vector<1x16xf32>,
        %parallel_loop3A_135 = arith.constant -65536 : i32
        %parallel_loop3A_136 = vector.broadcast %parallel_loop3A_135 : i32 to vector<16xi32>
        %parallel_loop3A_137 = arith.andi %parallel_loop3A_116, %parallel_loop3A_136 : vector<16xi32>
        %parallel_loop3A_138 = tpu.bitcast %parallel_loop3A_137 : vector<16xi32> -> vector<16xf32>
        %parallel_loop3A_139 = arith.constant -65536 : i32
        %parallel_loop3A_140 = vector.broadcast %parallel_loop3A_139 : i32 to vector<16xi32>
        %parallel_loop3A_141 = arith.andi %parallel_loop3A_120, %parallel_loop3A_140 : vector<16xi32>
        %parallel_loop3A_142 = tpu.bitcast %parallel_loop3A_141 : vector<16xi32> -> vector<16xf32>
        %parallel_loop3A_143 = arith.addf %parallel_loop3A_138, %parallel_loop3A_142 : vector<16xf32>
        %parallel_loop3A_144 = arith.index_cast %parallel_loop3A_112 : i32 to index
        %parallel_loop3A_145 = arith.constant 16 : index
        %parallel_loop3A_146 = tpu.vector_load %arg11[%parallel_loop3A_144, %parallel_loop3A_145] {strides = array<i32>} : memref<128x128xf32, #tpu.memory_space<vmem>>, vector<1x16xf32>,
        %parallel_loop3A_147 = vector.shape_cast %parallel_loop3A_146 : vector<1x16xf32> to vector<16xf32>
        %parallel_loop3A_148 = vector.shape_cast %parallel_loop3A_143 : vector<16xf32> to vector<1x16xf32>
        tpu.vector_store %arg11[%parallel_loop3A_144, %parallel_loop3A_145], %parallel_loop3A_148 {strides = array<i32>} : memref<128x128xf32, #tpu.memory_space<vmem>>, vector<1x16xf32>,
        %parallel_loop3A_149 = arith.index_cast %parallel_loop3A_112 : i32 to index
        %parallel_loop3A_150 = arith.constant 16 : index
        %parallel_loop3A_151 = tpu.vector_load %arg9[%parallel_loop3A_149, %parallel_loop3A_150] {strides = array<i32>} : memref<128x64xi32, #tpu.memory_space<vmem>>, vector<1x16xi32>,
        %parallel_loop3A_152 = vector.shape_cast %parallel_loop3A_151 : vector<1x16xi32> to vector<16xi32>
        %parallel_loop3A_153 = arith.index_cast %parallel_loop3A_112 : i32 to index
        %parallel_loop3A_154 = arith.constant 16 : index
        %parallel_loop3A_155 = tpu.vector_load %arg10[%parallel_loop3A_153, %parallel_loop3A_154] {strides = array<i32>} : memref<128x64xi32, #tpu.memory_space<vmem>>, vector<1x16xi32>,
        %parallel_loop3A_156 = vector.shape_cast %parallel_loop3A_155 : vector<1x16xi32> to vector<16xi32>
        %parallel_loop3A_157 = arith.constant 16 : i32
        %parallel_loop3A_158 = vector.broadcast %parallel_loop3A_157 : i32 to vector<16xi32>
        %parallel_loop3A_159 = arith.shli %parallel_loop3A_152, %parallel_loop3A_158 : vector<16xi32>
        %parallel_loop3A_160 = tpu.bitcast %parallel_loop3A_159 : vector<16xi32> -> vector<16xf32>
        %parallel_loop3A_161 = arith.constant 16 : i32
        %parallel_loop3A_162 = vector.broadcast %parallel_loop3A_161 : i32 to vector<16xi32>
        %parallel_loop3A_163 = arith.shli %parallel_loop3A_156, %parallel_loop3A_162 : vector<16xi32>
        %parallel_loop3A_164 = tpu.bitcast %parallel_loop3A_163 : vector<16xi32> -> vector<16xf32>
        %parallel_loop3A_165 = arith.addf %parallel_loop3A_160, %parallel_loop3A_164 : vector<16xf32>
        %parallel_loop3A_166 = arith.index_cast %parallel_loop3A_112 : i32 to index
        %parallel_loop3A_167 = arith.constant 32 : index
        %parallel_loop3A_168 = tpu.vector_load %arg11[%parallel_loop3A_166, %parallel_loop3A_167] {strides = array<i32>} : memref<128x128xf32, #tpu.memory_space<vmem>>, vector<1x16xf32>,
        %parallel_loop3A_169 = vector.shape_cast %parallel_loop3A_168 : vector<1x16xf32> to vector<16xf32>
        %parallel_loop3A_170 = vector.shape_cast %parallel_loop3A_165 : vector<16xf32> to vector<1x16xf32>
        tpu.vector_store %arg11[%parallel_loop3A_166, %parallel_loop3A_167], %parallel_loop3A_170 {strides = array<i32>} : memref<128x128xf32, #tpu.memory_space<vmem>>, vector<1x16xf32>,
        %parallel_loop3A_171 = arith.constant -65536 : i32
        %parallel_loop3A_172 = vector.broadcast %parallel_loop3A_171 : i32 to vector<16xi32>
        %parallel_loop3A_173 = arith.andi %parallel_loop3A_152, %parallel_loop3A_172 : vector<16xi32>
        %parallel_loop3A_174 = tpu.bitcast %parallel_loop3A_173 : vector<16xi32> -> vector<16xf32>
        %parallel_loop3A_175 = arith.constant -65536 : i32
        %parallel_loop3A_176 = vector.broadcast %parallel_loop3A_175 : i32 to vector<16xi32>
        %parallel_loop3A_177 = arith.andi %parallel_loop3A_156, %parallel_loop3A_176 : vector<16xi32>
        %parallel_loop3A_178 = tpu.bitcast %parallel_loop3A_177 : vector<16xi32> -> vector<16xf32>
        %parallel_loop3A_179 = arith.addf %parallel_loop3A_174, %parallel_loop3A_178 : vector<16xf32>
        %parallel_loop3A_180 = arith.index_cast %parallel_loop3A_112 : i32 to index
        %parallel_loop3A_181 = arith.constant 48 : index
        %parallel_loop3A_182 = tpu.vector_load %arg11[%parallel_loop3A_180, %parallel_loop3A_181] {strides = array<i32>} : memref<128x128xf32, #tpu.memory_space<vmem>>, vector<1x16xf32>,
        %parallel_loop3A_183 = vector.shape_cast %parallel_loop3A_182 : vector<1x16xf32> to vector<16xf32>
        %parallel_loop3A_184 = vector.shape_cast %parallel_loop3A_179 : vector<16xf32> to vector<1x16xf32>
        tpu.vector_store %arg11[%parallel_loop3A_180, %parallel_loop3A_181], %parallel_loop3A_184 {strides = array<i32>} : memref<128x128xf32, #tpu.memory_space<vmem>>, vector<1x16xf32>,
        %parallel_loop3A_185 = arith.index_cast %parallel_loop3A_112 : i32 to index
        %parallel_loop3A_186 = arith.constant 32 : index
        %parallel_loop3A_187 = tpu.vector_load %arg9[%parallel_loop3A_185, %parallel_loop3A_186] {strides = array<i32>} : memref<128x64xi32, #tpu.memory_space<vmem>>, vector<1x16xi32>,
        %parallel_loop3A_188 = vector.shape_cast %parallel_loop3A_187 : vector<1x16xi32> to vector<16xi32>
        %parallel_loop3A_189 = arith.index_cast %parallel_loop3A_112 : i32 to index
        %parallel_loop3A_190 = arith.constant 32 : index
        %parallel_loop3A_191 = tpu.vector_load %arg10[%parallel_loop3A_189, %parallel_loop3A_190] {strides = array<i32>} : memref<128x64xi32, #tpu.memory_space<vmem>>, vector<1x16xi32>,
        %parallel_loop3A_192 = vector.shape_cast %parallel_loop3A_191 : vector<1x16xi32> to vector<16xi32>
        %parallel_loop3A_193 = arith.constant 16 : i32
        %parallel_loop3A_194 = vector.broadcast %parallel_loop3A_193 : i32 to vector<16xi32>
        %parallel_loop3A_195 = arith.shli %parallel_loop3A_188, %parallel_loop3A_194 : vector<16xi32>
        %parallel_loop3A_196 = tpu.bitcast %parallel_loop3A_195 : vector<16xi32> -> vector<16xf32>
        %parallel_loop3A_197 = arith.constant 16 : i32
        %parallel_loop3A_198 = vector.broadcast %parallel_loop3A_197 : i32 to vector<16xi32>
        %parallel_loop3A_199 = arith.shli %parallel_loop3A_192, %parallel_loop3A_198 : vector<16xi32>
        %parallel_loop3A_200 = tpu.bitcast %parallel_loop3A_199 : vector<16xi32> -> vector<16xf32>
        %parallel_loop3A_201 = arith.addf %parallel_loop3A_196, %parallel_loop3A_200 : vector<16xf32>
        %parallel_loop3A_202 = arith.index_cast %parallel_loop3A_112 : i32 to index
        %parallel_loop3A_203 = arith.constant 64 : index
        %parallel_loop3A_204 = tpu.vector_load %arg11[%parallel_loop3A_202, %parallel_loop3A_203] {strides = array<i32>} : memref<128x128xf32, #tpu.memory_space<vmem>>, vector<1x16xf32>,
        %parallel_loop3A_205 = vector.shape_cast %parallel_loop3A_204 : vector<1x16xf32> to vector<16xf32>
        %parallel_loop3A_206 = vector.shape_cast %parallel_loop3A_201 : vector<16xf32> to vector<1x16xf32>
        tpu.vector_store %arg11[%parallel_loop3A_202, %parallel_loop3A_203], %parallel_loop3A_206 {strides = array<i32>} : memref<128x128xf32, #tpu.memory_space<vmem>>, vector<1x16xf32>,
        %parallel_loop3A_207 = arith.constant -65536 : i32
        %parallel_loop3A_208 = vector.broadcast %parallel_loop3A_207 : i32 to vector<16xi32>
        %parallel_loop3A_209 = arith.andi %parallel_loop3A_188, %parallel_loop3A_208 : vector<16xi32>
        %parallel_loop3A_210 = tpu.bitcast %parallel_loop3A_209 : vector<16xi32> -> vector<16xf32>
        %parallel_loop3A_211 = arith.constant -65536 : i32
        %parallel_loop3A_212 = vector.broadcast %parallel_loop3A_211 : i32 to vector<16xi32>
        %parallel_loop3A_213 = arith.andi %parallel_loop3A_192, %parallel_loop3A_212 : vector<16xi32>
        %parallel_loop3A_214 = tpu.bitcast %parallel_loop3A_213 : vector<16xi32> -> vector<16xf32>
        %parallel_loop3A_215 = arith.addf %parallel_loop3A_210, %parallel_loop3A_214 : vector<16xf32>
        %parallel_loop3A_216 = arith.index_cast %parallel_loop3A_112 : i32 to index
        %parallel_loop3A_217 = arith.constant 80 : index
        %parallel_loop3A_218 = tpu.vector_load %arg11[%parallel_loop3A_216, %parallel_loop3A_217] {strides = array<i32>} : memref<128x128xf32, #tpu.memory_space<vmem>>, vector<1x16xf32>,
        %parallel_loop3A_219 = vector.shape_cast %parallel_loop3A_218 : vector<1x16xf32> to vector<16xf32>
        %parallel_loop3A_220 = vector.shape_cast %parallel_loop3A_215 : vector<16xf32> to vector<1x16xf32>
        tpu.vector_store %arg11[%parallel_loop3A_216, %parallel_loop3A_217], %parallel_loop3A_220 {strides = array<i32>} : memref<128x128xf32, #tpu.memory_space<vmem>>, vector<1x16xf32>,
        %parallel_loop3A_221 = arith.index_cast %parallel_loop3A_112 : i32 to index
        %parallel_loop3A_222 = arith.constant 48 : index
        %parallel_loop3A_223 = tpu.vector_load %arg9[%parallel_loop3A_221, %parallel_loop3A_222] {strides = array<i32>} : memref<128x64xi32, #tpu.memory_space<vmem>>, vector<1x16xi32>,
        %parallel_loop3A_224 = vector.shape_cast %parallel_loop3A_223 : vector<1x16xi32> to vector<16xi32>
        %parallel_loop3A_225 = arith.index_cast %parallel_loop3A_112 : i32 to index
        %parallel_loop3A_226 = arith.constant 48 : index
        %parallel_loop3A_227 = tpu.vector_load %arg10[%parallel_loop3A_225, %parallel_loop3A_226] {strides = array<i32>} : memref<128x64xi32, #tpu.memory_space<vmem>>, vector<1x16xi32>,
        %parallel_loop3A_228 = vector.shape_cast %parallel_loop3A_227 : vector<1x16xi32> to vector<16xi32>
        %parallel_loop3A_229 = arith.constant 16 : i32
        %parallel_loop3A_230 = vector.broadcast %parallel_loop3A_229 : i32 to vector<16xi32>
        %parallel_loop3A_231 = arith.shli %parallel_loop3A_224, %parallel_loop3A_230 : vector<16xi32>
        %parallel_loop3A_232 = tpu.bitcast %parallel_loop3A_231 : vector<16xi32> -> vector<16xf32>
        %parallel_loop3A_233 = arith.constant 16 : i32
        %parallel_loop3A_234 = vector.broadcast %parallel_loop3A_233 : i32 to vector<16xi32>
        %parallel_loop3A_235 = arith.shli %parallel_loop3A_228, %parallel_loop3A_234 : vector<16xi32>
        %parallel_loop3A_236 = tpu.bitcast %parallel_loop3A_235 : vector<16xi32> -> vector<16xf32>
        %parallel_loop3A_237 = arith.addf %parallel_loop3A_232, %parallel_loop3A_236 : vector<16xf32>
        %parallel_loop3A_238 = arith.index_cast %parallel_loop3A_112 : i32 to index
        %parallel_loop3A_239 = arith.constant 96 : index
        %parallel_loop3A_240 = tpu.vector_load %arg11[%parallel_loop3A_238, %parallel_loop3A_239] {strides = array<i32>} : memref<128x128xf32, #tpu.memory_space<vmem>>, vector<1x16xf32>,
        %parallel_loop3A_241 = vector.shape_cast %parallel_loop3A_240 : vector<1x16xf32> to vector<16xf32>
        %parallel_loop3A_242 = vector.shape_cast %parallel_loop3A_237 : vector<16xf32> to vector<1x16xf32>
        tpu.vector_store %arg11[%parallel_loop3A_238, %parallel_loop3A_239], %parallel_loop3A_242 {strides = array<i32>} : memref<128x128xf32, #tpu.memory_space<vmem>>, vector<1x16xf32>,
        %parallel_loop3A_243 = arith.constant -65536 : i32
        %parallel_loop3A_244 = vector.broadcast %parallel_loop3A_243 : i32 to vector<16xi32>
        %parallel_loop3A_245 = arith.andi %parallel_loop3A_224, %parallel_loop3A_244 : vector<16xi32>
        %parallel_loop3A_246 = tpu.bitcast %parallel_loop3A_245 : vector<16xi32> -> vector<16xf32>
        %parallel_loop3A_247 = arith.constant -65536 : i32
        %parallel_loop3A_248 = vector.broadcast %parallel_loop3A_247 : i32 to vector<16xi32>
        %parallel_loop3A_249 = arith.andi %parallel_loop3A_228, %parallel_loop3A_248 : vector<16xi32>
        %parallel_loop3A_250 = tpu.bitcast %parallel_loop3A_249 : vector<16xi32> -> vector<16xf32>
        %parallel_loop3A_251 = arith.addf %parallel_loop3A_246, %parallel_loop3A_250 : vector<16xf32>
        %parallel_loop3A_252 = arith.index_cast %parallel_loop3A_112 : i32 to index
        %parallel_loop3A_253 = arith.constant 112 : index
        %parallel_loop3A_254 = tpu.vector_load %arg11[%parallel_loop3A_252, %parallel_loop3A_253] {strides = array<i32>} : memref<128x128xf32, #tpu.memory_space<vmem>>, vector<1x16xf32>,
        %parallel_loop3A_255 = vector.shape_cast %parallel_loop3A_254 : vector<1x16xf32> to vector<16xf32>
        %parallel_loop3A_256 = vector.shape_cast %parallel_loop3A_251 : vector<16xf32> to vector<1x16xf32>
        tpu.vector_store %arg11[%parallel_loop3A_252, %parallel_loop3A_253], %parallel_loop3A_256 {strides = array<i32>} : memref<128x128xf32, #tpu.memory_space<vmem>>, vector<1x16xf32>,
      } {sc.loop_unroll_factor = 2 : i64, sc.parallel_access}
      %lt3A_96 = arith.constant 38 : i32
      %lt3A_97 = arith.cmpi slt, %scan3A_68, %lt3A_96 : i32
      %convert_element_type3A_98 = arith.extui %lt3A_97 : i1 to i32
      %cond3A_99 = arith.constant 0 : i32
      %cond3A_100 = arith.cmpi ne, %convert_element_type3A_98, %cond3A_99 : i32
      scf.if %cond3A_100 {
        %dma_start3A_112 = tpu.memref_slice %arg7[%add3A_76] : memref<10000xi32, #tpu.memory_space<vmem>> -> memref<128xi32, #tpu.memory_space<vmem>>
        %dma_start3A_113 = arith.constant 0 : i32
        %dma_start3A_114 = arith.constant 0 : i32
        %dma_start3A_115 = tpu.memref_slice %arg3[%dma_start3A_113, %dma_start3A_114] : memref<10000x64xi32, #tpu.memory_space<hbm>> -> memref<10000x64xi32, #tpu.memory_space<hbm>>
        tpu.enqueue_indirect_dma source(%dma_start3A_115 : memref<10000x64xi32, #tpu.memory_space<hbm>>) target(%arg9 : memref<128x64xi32, #tpu.memory_space<vmem>>) offsets(%dma_start3A_112 : memref<128xi32, #tpu.memory_space<vmem>>) semaphore(%arg15 : memref<!tpu.dma_semaphore, #tpu.memory_space<semaphore_mem>>)
        %dma_start3A_116 = tpu.memref_slice %arg8[%add3A_76] : memref<10000xi32, #tpu.memory_space<vmem>> -> memref<128xi32, #tpu.memory_space<vmem>>
        %dma_start3A_117 = arith.constant 0 : i32
        %dma_start3A_118 = arith.constant 0 : i32
        %dma_start3A_119 = tpu.memref_slice %arg3[%dma_start3A_117, %dma_start3A_118] : memref<10000x64xi32, #tpu.memory_space<hbm>> -> memref<10000x64xi32, #tpu.memory_space<hbm>>
        tpu.enqueue_indirect_dma source(%dma_start3A_119 : memref<10000x64xi32, #tpu.memory_space<hbm>>) target(%arg10 : memref<128x64xi32, #tpu.memory_space<vmem>>) offsets(%dma_start3A_116 : memref<128xi32, #tpu.memory_space<vmem>>) semaphore(%arg15 : memref<!tpu.dma_semaphore, #tpu.memory_space<semaphore_mem>>)
      } else {
      }
      %dma_wait3A_101 = tpu.memref_slice %arg7[%add3A_74] : memref<10000xi32, #tpu.memory_space<vmem>> -> memref<128xi32, #tpu.memory_space<vmem>>
      %dma_wait3A_102 = arith.constant 0 : i32
      %dma_wait3A_103 = arith.constant 0 : i32
      %dma_wait3A_104 = tpu.memref_slice %arg3[%dma_wait3A_102, %dma_wait3A_103] : memref<10000x64xi32, #tpu.memory_space<hbm>> -> memref<10000x64xi32, #tpu.memory_space<hbm>>
      tpu.wait_indirect_dma semaphore(%arg16 : memref<!tpu.dma_semaphore, #tpu.memory_space<semaphore_mem>>) src(%dma_wait3A_104 : memref<10000x64xi32, #tpu.memory_space<hbm>>) dst(%arg12 : memref<128x64xi32, #tpu.memory_space<vmem>>)
      %dma_wait3A_105 = tpu.memref_slice %arg8[%add3A_74] : memref<10000xi32, #tpu.memory_space<vmem>> -> memref<128xi32, #tpu.memory_space<vmem>>
      %dma_wait3A_106 = arith.constant 0 : i32
      %dma_wait3A_107 = arith.constant 0 : i32
      %dma_wait3A_108 = tpu.memref_slice %arg3[%dma_wait3A_106, %dma_wait3A_107] : memref<10000x64xi32, #tpu.memory_space<hbm>> -> memref<10000x64xi32, #tpu.memory_space<hbm>>
      tpu.wait_indirect_dma semaphore(%arg16 : memref<!tpu.dma_semaphore, #tpu.memory_space<semaphore_mem>>) src(%dma_wait3A_108 : memref<10000x64xi32, #tpu.memory_space<hbm>>) dst(%arg13 : memref<128x64xi32, #tpu.memory_space<vmem>>)
      %parallel_loop3A_109 = arith.constant 0 : i32
      %parallel_loop3A_110 = arith.constant 128 : i32
      %parallel_loop3A_111 = arith.constant 1 : i32
      scf.for %parallel_loop3A_112 = %parallel_loop3A_109 to %parallel_loop3A_110 step %parallel_loop3A_111  : i32 {
        %parallel_loop3A_113 = arith.index_cast %parallel_loop3A_112 : i32 to index
        %parallel_loop3A_114 = arith.constant 0 : index
        %parallel_loop3A_115 = tpu.vector_load %arg12[%parallel_loop3A_113, %parallel_loop3A_114] {strides = array<i32>} : memref<128x64xi32, #tpu.memory_space<vmem>>, vector<1x16xi32>,
        %parallel_loop3A_116 = vector.shape_cast %parallel_loop3A_115 : vector<1x16xi32> to vector<16xi32>
        %parallel_loop3A_117 = arith.index_cast %parallel_loop3A_112 : i32 to index
        %parallel_loop3A_118 = arith.constant 0 : index
        %parallel_loop3A_119 = tpu.vector_load %arg13[%parallel_loop3A_117, %parallel_loop3A_118] {strides = array<i32>} : memref<128x64xi32, #tpu.memory_space<vmem>>, vector<1x16xi32>,
        %parallel_loop3A_120 = vector.shape_cast %parallel_loop3A_119 : vector<1x16xi32> to vector<16xi32>
        %parallel_loop3A_121 = arith.constant 16 : i32
        %parallel_loop3A_122 = vector.broadcast %parallel_loop3A_121 : i32 to vector<16xi32>
        %parallel_loop3A_123 = arith.shli %parallel_loop3A_116, %parallel_loop3A_122 : vector<16xi32>
        %parallel_loop3A_124 = tpu.bitcast %parallel_loop3A_123 : vector<16xi32> -> vector<16xf32>
        %parallel_loop3A_125 = arith.constant 16 : i32
        %parallel_loop3A_126 = vector.broadcast %parallel_loop3A_125 : i32 to vector<16xi32>
        %parallel_loop3A_127 = arith.shli %parallel_loop3A_120, %parallel_loop3A_126 : vector<16xi32>
        %parallel_loop3A_128 = tpu.bitcast %parallel_loop3A_127 : vector<16xi32> -> vector<16xf32>
        %parallel_loop3A_129 = arith.addf %parallel_loop3A_124, %parallel_loop3A_128 : vector<16xf32>
        %parallel_loop3A_130 = arith.index_cast %parallel_loop3A_112 : i32 to index
        %parallel_loop3A_131 = arith.constant 0 : index
        %parallel_loop3A_132 = tpu.vector_load %arg14[%parallel_loop3A_130, %parallel_loop3A_131] {strides = array<i32>} : memref<128x128xf32, #tpu.memory_space<vmem>>, vector<1x16xf32>,
        %parallel_loop3A_133 = vector.shape_cast %parallel_loop3A_132 : vector<1x16xf32> to vector<16xf32>
        %parallel_loop3A_134 = vector.shape_cast %parallel_loop3A_129 : vector<16xf32> to vector<1x16xf32>
        tpu.vector_store %arg14[%parallel_loop3A_130, %parallel_loop3A_131], %parallel_loop3A_134 {strides = array<i32>} : memref<128x128xf32, #tpu.memory_space<vmem>>, vector<1x16xf32>,
        %parallel_loop3A_135 = arith.constant -65536 : i32
        %parallel_loop3A_136 = vector.broadcast %parallel_loop3A_135 : i32 to vector<16xi32>
        %parallel_loop3A_137 = arith.andi %parallel_loop3A_116, %parallel_loop3A_136 : vector<16xi32>
        %parallel_loop3A_138 = tpu.bitcast %parallel_loop3A_137 : vector<16xi32> -> vector<16xf32>
        %parallel_loop3A_139 = arith.constant -65536 : i32
        %parallel_loop3A_140 = vector.broadcast %parallel_loop3A_139 : i32 to vector<16xi32>
        %parallel_loop3A_141 = arith.andi %parallel_loop3A_120, %parallel_loop3A_140 : vector<16xi32>
        %parallel_loop3A_142 = tpu.bitcast %parallel_loop3A_141 : vector<16xi32> -> vector<16xf32>
        %parallel_loop3A_143 = arith.addf %parallel_loop3A_138, %parallel_loop3A_142 : vector<16xf32>
        %parallel_loop3A_144 = arith.index_cast %parallel_loop3A_112 : i32 to index
        %parallel_loop3A_145 = arith.constant 16 : index
        %parallel_loop3A_146 = tpu.vector_load %arg14[%parallel_loop3A_144, %parallel_loop3A_145] {strides = array<i32>} : memref<128x128xf32, #tpu.memory_space<vmem>>, vector<1x16xf32>,
        %parallel_loop3A_147 = vector.shape_cast %parallel_loop3A_146 : vector<1x16xf32> to vector<16xf32>
        %parallel_loop3A_148 = vector.shape_cast %parallel_loop3A_143 : vector<16xf32> to vector<1x16xf32>
        tpu.vector_store %arg14[%parallel_loop3A_144, %parallel_loop3A_145], %parallel_loop3A_148 {strides = array<i32>} : memref<128x128xf32, #tpu.memory_space<vmem>>, vector<1x16xf32>,
        %parallel_loop3A_149 = arith.index_cast %parallel_loop3A_112 : i32 to index
        %parallel_loop3A_150 = arith.constant 16 : index
        %parallel_loop3A_151 = tpu.vector_load %arg12[%parallel_loop3A_149, %parallel_loop3A_150] {strides = array<i32>} : memref<128x64xi32, #tpu.memory_space<vmem>>, vector<1x16xi32>,
        %parallel_loop3A_152 = vector.shape_cast %parallel_loop3A_151 : vector<1x16xi32> to vector<16xi32>
        %parallel_loop3A_153 = arith.index_cast %parallel_loop3A_112 : i32 to index
        %parallel_loop3A_154 = arith.constant 16 : index
        %parallel_loop3A_155 = tpu.vector_load %arg13[%parallel_loop3A_153, %parallel_loop3A_154] {strides = array<i32>} : memref<128x64xi32, #tpu.memory_space<vmem>>, vector<1x16xi32>,
        %parallel_loop3A_156 = vector.shape_cast %parallel_loop3A_155 : vector<1x16xi32> to vector<16xi32>
        %parallel_loop3A_157 = arith.constant 16 : i32
        %parallel_loop3A_158 = vector.broadcast %parallel_loop3A_157 : i32 to vector<16xi32>
        %parallel_loop3A_159 = arith.shli %parallel_loop3A_152, %parallel_loop3A_158 : vector<16xi32>
        %parallel_loop3A_160 = tpu.bitcast %parallel_loop3A_159 : vector<16xi32> -> vector<16xf32>
        %parallel_loop3A_161 = arith.constant 16 : i32
        %parallel_loop3A_162 = vector.broadcast %parallel_loop3A_161 : i32 to vector<16xi32>
        %parallel_loop3A_163 = arith.shli %parallel_loop3A_156, %parallel_loop3A_162 : vector<16xi32>
        %parallel_loop3A_164 = tpu.bitcast %parallel_loop3A_163 : vector<16xi32> -> vector<16xf32>
        %parallel_loop3A_165 = arith.addf %parallel_loop3A_160, %parallel_loop3A_164 : vector<16xf32>
        %parallel_loop3A_166 = arith.index_cast %parallel_loop3A_112 : i32 to index
        %parallel_loop3A_167 = arith.constant 32 : index
        %parallel_loop3A_168 = tpu.vector_load %arg14[%parallel_loop3A_166, %parallel_loop3A_167] {strides = array<i32>} : memref<128x128xf32, #tpu.memory_space<vmem>>, vector<1x16xf32>,
        %parallel_loop3A_169 = vector.shape_cast %parallel_loop3A_168 : vector<1x16xf32> to vector<16xf32>
        %parallel_loop3A_170 = vector.shape_cast %parallel_loop3A_165 : vector<16xf32> to vector<1x16xf32>
        tpu.vector_store %arg14[%parallel_loop3A_166, %parallel_loop3A_167], %parallel_loop3A_170 {strides = array<i32>} : memref<128x128xf32, #tpu.memory_space<vmem>>, vector<1x16xf32>,
        %parallel_loop3A_171 = arith.constant -65536 : i32
        %parallel_loop3A_172 = vector.broadcast %parallel_loop3A_171 : i32 to vector<16xi32>
        %parallel_loop3A_173 = arith.andi %parallel_loop3A_152, %parallel_loop3A_172 : vector<16xi32>
        %parallel_loop3A_174 = tpu.bitcast %parallel_loop3A_173 : vector<16xi32> -> vector<16xf32>
        %parallel_loop3A_175 = arith.constant -65536 : i32
        %parallel_loop3A_176 = vector.broadcast %parallel_loop3A_175 : i32 to vector<16xi32>
        %parallel_loop3A_177 = arith.andi %parallel_loop3A_156, %parallel_loop3A_176 : vector<16xi32>
        %parallel_loop3A_178 = tpu.bitcast %parallel_loop3A_177 : vector<16xi32> -> vector<16xf32>
        %parallel_loop3A_179 = arith.addf %parallel_loop3A_174, %parallel_loop3A_178 : vector<16xf32>
        %parallel_loop3A_180 = arith.index_cast %parallel_loop3A_112 : i32 to index
        %parallel_loop3A_181 = arith.constant 48 : index
        %parallel_loop3A_182 = tpu.vector_load %arg14[%parallel_loop3A_180, %parallel_loop3A_181] {strides = array<i32>} : memref<128x128xf32, #tpu.memory_space<vmem>>, vector<1x16xf32>,
        %parallel_loop3A_183 = vector.shape_cast %parallel_loop3A_182 : vector<1x16xf32> to vector<16xf32>
        %parallel_loop3A_184 = vector.shape_cast %parallel_loop3A_179 : vector<16xf32> to vector<1x16xf32>
        tpu.vector_store %arg14[%parallel_loop3A_180, %parallel_loop3A_181], %parallel_loop3A_184 {strides = array<i32>} : memref<128x128xf32, #tpu.memory_space<vmem>>, vector<1x16xf32>,
        %parallel_loop3A_185 = arith.index_cast %parallel_loop3A_112 : i32 to index
        %parallel_loop3A_186 = arith.constant 32 : index
        %parallel_loop3A_187 = tpu.vector_load %arg12[%parallel_loop3A_185, %parallel_loop3A_186] {strides = array<i32>} : memref<128x64xi32, #tpu.memory_space<vmem>>, vector<1x16xi32>,
        %parallel_loop3A_188 = vector.shape_cast %parallel_loop3A_187 : vector<1x16xi32> to vector<16xi32>
        %parallel_loop3A_189 = arith.index_cast %parallel_loop3A_112 : i32 to index
        %parallel_loop3A_190 = arith.constant 32 : index
        %parallel_loop3A_191 = tpu.vector_load %arg13[%parallel_loop3A_189, %parallel_loop3A_190] {strides = array<i32>} : memref<128x64xi32, #tpu.memory_space<vmem>>, vector<1x16xi32>,
        %parallel_loop3A_192 = vector.shape_cast %parallel_loop3A_191 : vector<1x16xi32> to vector<16xi32>
        %parallel_loop3A_193 = arith.constant 16 : i32
        %parallel_loop3A_194 = vector.broadcast %parallel_loop3A_193 : i32 to vector<16xi32>
        %parallel_loop3A_195 = arith.shli %parallel_loop3A_188, %parallel_loop3A_194 : vector<16xi32>
        %parallel_loop3A_196 = tpu.bitcast %parallel_loop3A_195 : vector<16xi32> -> vector<16xf32>
        %parallel_loop3A_197 = arith.constant 16 : i32
        %parallel_loop3A_198 = vector.broadcast %parallel_loop3A_197 : i32 to vector<16xi32>
        %parallel_loop3A_199 = arith.shli %parallel_loop3A_192, %parallel_loop3A_198 : vector<16xi32>
        %parallel_loop3A_200 = tpu.bitcast %parallel_loop3A_199 : vector<16xi32> -> vector<16xf32>
        %parallel_loop3A_201 = arith.addf %parallel_loop3A_196, %parallel_loop3A_200 : vector<16xf32>
        %parallel_loop3A_202 = arith.index_cast %parallel_loop3A_112 : i32 to index
        %parallel_loop3A_203 = arith.constant 64 : index
        %parallel_loop3A_204 = tpu.vector_load %arg14[%parallel_loop3A_202, %parallel_loop3A_203] {strides = array<i32>} : memref<128x128xf32, #tpu.memory_space<vmem>>, vector<1x16xf32>,
        %parallel_loop3A_205 = vector.shape_cast %parallel_loop3A_204 : vector<1x16xf32> to vector<16xf32>
        %parallel_loop3A_206 = vector.shape_cast %parallel_loop3A_201 : vector<16xf32> to vector<1x16xf32>
        tpu.vector_store %arg14[%parallel_loop3A_202, %parallel_loop3A_203], %parallel_loop3A_206 {strides = array<i32>} : memref<128x128xf32, #tpu.memory_space<vmem>>, vector<1x16xf32>,
        %parallel_loop3A_207 = arith.constant -65536 : i32
        %parallel_loop3A_208 = vector.broadcast %parallel_loop3A_207 : i32 to vector<16xi32>
        %parallel_loop3A_209 = arith.andi %parallel_loop3A_188, %parallel_loop3A_208 : vector<16xi32>
        %parallel_loop3A_210 = tpu.bitcast %parallel_loop3A_209 : vector<16xi32> -> vector<16xf32>
        %parallel_loop3A_211 = arith.constant -65536 : i32
        %parallel_loop3A_212 = vector.broadcast %parallel_loop3A_211 : i32 to vector<16xi32>
        %parallel_loop3A_213 = arith.andi %parallel_loop3A_192, %parallel_loop3A_212 : vector<16xi32>
        %parallel_loop3A_214 = tpu.bitcast %parallel_loop3A_213 : vector<16xi32> -> vector<16xf32>
        %parallel_loop3A_215 = arith.addf %parallel_loop3A_210, %parallel_loop3A_214 : vector<16xf32>
        %parallel_loop3A_216 = arith.index_cast %parallel_loop3A_112 : i32 to index
        %parallel_loop3A_217 = arith.constant 80 : index
        %parallel_loop3A_218 = tpu.vector_load %arg14[%parallel_loop3A_216, %parallel_loop3A_217] {strides = array<i32>} : memref<128x128xf32, #tpu.memory_space<vmem>>, vector<1x16xf32>,
        %parallel_loop3A_219 = vector.shape_cast %parallel_loop3A_218 : vector<1x16xf32> to vector<16xf32>
        %parallel_loop3A_220 = vector.shape_cast %parallel_loop3A_215 : vector<16xf32> to vector<1x16xf32>
        tpu.vector_store %arg14[%parallel_loop3A_216, %parallel_loop3A_217], %parallel_loop3A_220 {strides = array<i32>} : memref<128x128xf32, #tpu.memory_space<vmem>>, vector<1x16xf32>,
        %parallel_loop3A_221 = arith.index_cast %parallel_loop3A_112 : i32 to index
        %parallel_loop3A_222 = arith.constant 48 : index
        %parallel_loop3A_223 = tpu.vector_load %arg12[%parallel_loop3A_221, %parallel_loop3A_222] {strides = array<i32>} : memref<128x64xi32, #tpu.memory_space<vmem>>, vector<1x16xi32>,
        %parallel_loop3A_224 = vector.shape_cast %parallel_loop3A_223 : vector<1x16xi32> to vector<16xi32>
        %parallel_loop3A_225 = arith.index_cast %parallel_loop3A_112 : i32 to index
        %parallel_loop3A_226 = arith.constant 48 : index
        %parallel_loop3A_227 = tpu.vector_load %arg13[%parallel_loop3A_225, %parallel_loop3A_226] {strides = array<i32>} : memref<128x64xi32, #tpu.memory_space<vmem>>, vector<1x16xi32>,
        %parallel_loop3A_228 = vector.shape_cast %parallel_loop3A_227 : vector<1x16xi32> to vector<16xi32>
        %parallel_loop3A_229 = arith.constant 16 : i32
        %parallel_loop3A_230 = vector.broadcast %parallel_loop3A_229 : i32 to vector<16xi32>
        %parallel_loop3A_231 = arith.shli %parallel_loop3A_224, %parallel_loop3A_230 : vector<16xi32>
        %parallel_loop3A_232 = tpu.bitcast %parallel_loop3A_231 : vector<16xi32> -> vector<16xf32>
        %parallel_loop3A_233 = arith.constant 16 : i32
        %parallel_loop3A_234 = vector.broadcast %parallel_loop3A_233 : i32 to vector<16xi32>
        %parallel_loop3A_235 = arith.shli %parallel_loop3A_228, %parallel_loop3A_234 : vector<16xi32>
        %parallel_loop3A_236 = tpu.bitcast %parallel_loop3A_235 : vector<16xi32> -> vector<16xf32>
        %parallel_loop3A_237 = arith.addf %parallel_loop3A_232, %parallel_loop3A_236 : vector<16xf32>
        %parallel_loop3A_238 = arith.index_cast %parallel_loop3A_112 : i32 to index
        %parallel_loop3A_239 = arith.constant 96 : index
        %parallel_loop3A_240 = tpu.vector_load %arg14[%parallel_loop3A_238, %parallel_loop3A_239] {strides = array<i32>} : memref<128x128xf32, #tpu.memory_space<vmem>>, vector<1x16xf32>,
        %parallel_loop3A_241 = vector.shape_cast %parallel_loop3A_240 : vector<1x16xf32> to vector<16xf32>
        %parallel_loop3A_242 = vector.shape_cast %parallel_loop3A_237 : vector<16xf32> to vector<1x16xf32>
        tpu.vector_store %arg14[%parallel_loop3A_238, %parallel_loop3A_239], %parallel_loop3A_242 {strides = array<i32>} : memref<128x128xf32, #tpu.memory_space<vmem>>, vector<1x16xf32>,
        %parallel_loop3A_243 = arith.constant -65536 : i32
        %parallel_loop3A_244 = vector.broadcast %parallel_loop3A_243 : i32 to vector<16xi32>
        %parallel_loop3A_245 = arith.andi %parallel_loop3A_224, %parallel_loop3A_244 : vector<16xi32>
        %parallel_loop3A_246 = tpu.bitcast %parallel_loop3A_245 : vector<16xi32> -> vector<16xf32>
        %parallel_loop3A_247 = arith.constant -65536 : i32
        %parallel_loop3A_248 = vector.broadcast %parallel_loop3A_247 : i32 to vector<16xi32>
        %parallel_loop3A_249 = arith.andi %parallel_loop3A_228, %parallel_loop3A_248 : vector<16xi32>
        %parallel_loop3A_250 = tpu.bitcast %parallel_loop3A_249 : vector<16xi32> -> vector<16xf32>
        %parallel_loop3A_251 = arith.addf %parallel_loop3A_246, %parallel_loop3A_250 : vector<16xf32>
        %parallel_loop3A_252 = arith.index_cast %parallel_loop3A_112 : i32 to index
        %parallel_loop3A_253 = arith.constant 112 : index
        %parallel_loop3A_254 = tpu.vector_load %arg14[%parallel_loop3A_252, %parallel_loop3A_253] {strides = array<i32>} : memref<128x128xf32, #tpu.memory_space<vmem>>, vector<1x16xf32>,
        %parallel_loop3A_255 = vector.shape_cast %parallel_loop3A_254 : vector<1x16xf32> to vector<16xf32>
        %parallel_loop3A_256 = vector.shape_cast %parallel_loop3A_251 : vector<16xf32> to vector<1x16xf32>
        tpu.vector_store %arg14[%parallel_loop3A_252, %parallel_loop3A_253], %parallel_loop3A_256 {strides = array<i32>} : memref<128x128xf32, #tpu.memory_space<vmem>>, vector<1x16xf32>,
      } {sc.loop_unroll_factor = 2 : i64, sc.parallel_access}
    }
    %scan3A_24 = arith.constant 39 : i32
    %dma_start3A_25 = arith.constant 0 : i32
    %dma_start3A_26 = arith.constant 0 : i32
    %dma_start3A_27 = tpu.memref_slice %arg9[%dma_start3A_25, %dma_start3A_26] : memref<128x64xi32, #tpu.memory_space<vmem>> -> memref<16x64xi32, #tpu.memory_space<vmem>>
    %dma_start3A_28 = arith.constant 9984 : i32
    %dma_start3A_29 = tpu.memref_slice %arg7[%dma_start3A_28] : memref<10000xi32, #tpu.memory_space<vmem>> -> memref<16xi32, #tpu.memory_space<vmem>>
    %dma_start3A_30 = arith.constant 0 : i32
    %dma_start3A_31 = arith.constant 0 : i32
    %dma_start3A_32 = tpu.memref_slice %arg3[%dma_start3A_30, %dma_start3A_31] : memref<10000x64xi32, #tpu.memory_space<hbm>> -> memref<10000x64xi32, #tpu.memory_space<hbm>>
    tpu.enqueue_indirect_dma source(%dma_start3A_32 : memref<10000x64xi32, #tpu.memory_space<hbm>>) target(%dma_start3A_27 : memref<16x64xi32, #tpu.memory_space<vmem>>) offsets(%dma_start3A_29 : memref<16xi32, #tpu.memory_space<vmem>>) semaphore(%arg15 : memref<!tpu.dma_semaphore, #tpu.memory_space<semaphore_mem>>)
    %dma_start3A_33 = arith.constant 0 : i32
    %dma_start3A_34 = arith.constant 0 : i32
    %dma_start3A_35 = tpu.memref_slice %arg10[%dma_start3A_33, %dma_start3A_34] : memref<128x64xi32, #tpu.memory_space<vmem>> -> memref<16x64xi32, #tpu.memory_space<vmem>>
    %dma_start3A_36 = arith.constant 9984 : i32
    %dma_start3A_37 = tpu.memref_slice %arg8[%dma_start3A_36] : memref<10000xi32, #tpu.memory_space<vmem>> -> memref<16xi32, #tpu.memory_space<vmem>>
    %dma_start3A_38 = arith.constant 0 : i32
    %dma_start3A_39 = arith.constant 0 : i32
    %dma_start3A_40 = tpu.memref_slice %arg3[%dma_start3A_38, %dma_start3A_39] : memref<10000x64xi32, #tpu.memory_space<hbm>> -> memref<10000x64xi32, #tpu.memory_space<hbm>>
    tpu.enqueue_indirect_dma source(%dma_start3A_40 : memref<10000x64xi32, #tpu.memory_space<hbm>>) target(%dma_start3A_35 : memref<16x64xi32, #tpu.memory_space<vmem>>) offsets(%dma_start3A_37 : memref<16xi32, #tpu.memory_space<vmem>>) semaphore(%arg15 : memref<!tpu.dma_semaphore, #tpu.memory_space<semaphore_mem>>)
    %dma_wait3A = arith.constant 0 : i32
    %dma_wait3A_41 = arith.constant 0 : i32
    %dma_wait3A_42 = tpu.memref_slice %arg9[%dma_wait3A, %dma_wait3A_41] : memref<128x64xi32, #tpu.memory_space<vmem>> -> memref<16x64xi32, #tpu.memory_space<vmem>>
    %dma_wait3A_43 = arith.constant 9984 : i32
    %dma_wait3A_44 = tpu.memref_slice %arg7[%dma_wait3A_43] : memref<10000xi32, #tpu.memory_space<vmem>> -> memref<16xi32, #tpu.memory_space<vmem>>
    %dma_wait3A_45 = arith.constant 0 : i32
    %dma_wait3A_46 = arith.constant 0 : i32
    %dma_wait3A_47 = tpu.memref_slice %arg3[%dma_wait3A_45, %dma_wait3A_46] : memref<10000x64xi32, #tpu.memory_space<hbm>> -> memref<10000x64xi32, #tpu.memory_space<hbm>>
    tpu.wait_indirect_dma semaphore(%arg15 : memref<!tpu.dma_semaphore, #tpu.memory_space<semaphore_mem>>) src(%dma_wait3A_47 : memref<10000x64xi32, #tpu.memory_space<hbm>>) dst(%dma_wait3A_42 : memref<16x64xi32, #tpu.memory_space<vmem>>)
    %dma_wait3A_48 = arith.constant 0 : i32
    %dma_wait3A_49 = arith.constant 0 : i32
    %dma_wait3A_50 = tpu.memref_slice %arg10[%dma_wait3A_48, %dma_wait3A_49] : memref<128x64xi32, #tpu.memory_space<vmem>> -> memref<16x64xi32, #tpu.memory_space<vmem>>
    %dma_wait3A_51 = arith.constant 9984 : i32
    %dma_wait3A_52 = tpu.memref_slice %arg8[%dma_wait3A_51] : memref<10000xi32, #tpu.memory_space<vmem>> -> memref<16xi32, #tpu.memory_space<vmem>>
    %dma_wait3A_53 = arith.constant 0 : i32
    %dma_wait3A_54 = arith.constant 0 : i32
    %dma_wait3A_55 = tpu.memref_slice %arg3[%dma_wait3A_53, %dma_wait3A_54] : memref<10000x64xi32, #tpu.memory_space<hbm>> -> memref<10000x64xi32, #tpu.memory_space<hbm>>
    tpu.wait_indirect_dma semaphore(%arg15 : memref<!tpu.dma_semaphore, #tpu.memory_space<semaphore_mem>>) src(%dma_wait3A_55 : memref<10000x64xi32, #tpu.memory_space<hbm>>) dst(%dma_wait3A_50 : memref<16x64xi32, #tpu.memory_space<vmem>>)
    %parallel_loop3A = arith.constant 0 : i32
    %parallel_loop3A_56 = arith.constant 16 : i32
    %parallel_loop3A_57 = arith.constant 1 : i32
    scf.for %parallel_loop3A_68 = %parallel_loop3A to %parallel_loop3A_56 step %parallel_loop3A_57  : i32 {
      %parallel_loop3A_69 = arith.constant 0 : i32
      %parallel_loop3A_70 = arith.constant 0 : i32
      %parallel_loop3A_71 = tpu.memref_slice %arg9[%parallel_loop3A_69, %parallel_loop3A_70] : memref<128x64xi32, #tpu.memory_space<vmem>> -> memref<16x64xi32, #tpu.memory_space<vmem>>
      %parallel_loop3A_72 = arith.index_cast %parallel_loop3A_68 : i32 to index
      %parallel_loop3A_73 = arith.constant 0 : index
      %parallel_loop3A_74 = tpu.vector_load %parallel_loop3A_71[%parallel_loop3A_72, %parallel_loop3A_73] {strides = array<i32>} : memref<16x64xi32, #tpu.memory_space<vmem>>, vector<1x16xi32>,
      %parallel_loop3A_75 = vector.shape_cast %parallel_loop3A_74 : vector<1x16xi32> to vector<16xi32>
      %parallel_loop3A_76 = arith.constant 0 : i32
      %parallel_loop3A_77 = arith.constant 0 : i32
      %parallel_loop3A_78 = tpu.memref_slice %arg10[%parallel_loop3A_76, %parallel_loop3A_77] : memref<128x64xi32, #tpu.memory_space<vmem>> -> memref<16x64xi32, #tpu.memory_space<vmem>>
      %parallel_loop3A_79 = arith.index_cast %parallel_loop3A_68 : i32 to index
      %parallel_loop3A_80 = arith.constant 0 : index
      %parallel_loop3A_81 = tpu.vector_load %parallel_loop3A_78[%parallel_loop3A_79, %parallel_loop3A_80] {strides = array<i32>} : memref<16x64xi32, #tpu.memory_space<vmem>>, vector<1x16xi32>,
      %parallel_loop3A_82 = vector.shape_cast %parallel_loop3A_81 : vector<1x16xi32> to vector<16xi32>
      %parallel_loop3A_83 = arith.constant 16 : i32
      %parallel_loop3A_84 = vector.broadcast %parallel_loop3A_83 : i32 to vector<16xi32>
      %parallel_loop3A_85 = arith.shli %parallel_loop3A_75, %parallel_loop3A_84 : vector<16xi32>
      %parallel_loop3A_86 = tpu.bitcast %parallel_loop3A_85 : vector<16xi32> -> vector<16xf32>
      %parallel_loop3A_87 = arith.constant 16 : i32
      %parallel_loop3A_88 = vector.broadcast %parallel_loop3A_87 : i32 to vector<16xi32>
      %parallel_loop3A_89 = arith.shli %parallel_loop3A_82, %parallel_loop3A_88 : vector<16xi32>
      %parallel_loop3A_90 = tpu.bitcast %parallel_loop3A_89 : vector<16xi32> -> vector<16xf32>
      %parallel_loop3A_91 = arith.addf %parallel_loop3A_86, %parallel_loop3A_90 : vector<16xf32>
      %parallel_loop3A_92 = arith.constant 0 : i32
      %parallel_loop3A_93 = arith.constant 0 : i32
      %parallel_loop3A_94 = tpu.memref_slice %arg11[%parallel_loop3A_92, %parallel_loop3A_93] : memref<128x128xf32, #tpu.memory_space<vmem>> -> memref<16x128xf32, #tpu.memory_space<vmem>>
      %parallel_loop3A_95 = arith.index_cast %parallel_loop3A_68 : i32 to index
      %parallel_loop3A_96 = arith.constant 0 : index
      %parallel_loop3A_97 = tpu.vector_load %parallel_loop3A_94[%parallel_loop3A_95, %parallel_loop3A_96] {strides = array<i32>} : memref<16x128xf32, #tpu.memory_space<vmem>>, vector<1x16xf32>,
      %parallel_loop3A_98 = vector.shape_cast %parallel_loop3A_97 : vector<1x16xf32> to vector<16xf32>
      %parallel_loop3A_99 = vector.shape_cast %parallel_loop3A_91 : vector<16xf32> to vector<1x16xf32>
      tpu.vector_store %parallel_loop3A_94[%parallel_loop3A_95, %parallel_loop3A_96], %parallel_loop3A_99 {strides = array<i32>} : memref<16x128xf32, #tpu.memory_space<vmem>>, vector<1x16xf32>,
      %parallel_loop3A_100 = arith.constant -65536 : i32
      %parallel_loop3A_101 = vector.broadcast %parallel_loop3A_100 : i32 to vector<16xi32>
      %parallel_loop3A_102 = arith.andi %parallel_loop3A_75, %parallel_loop3A_101 : vector<16xi32>
      %parallel_loop3A_103 = tpu.bitcast %parallel_loop3A_102 : vector<16xi32> -> vector<16xf32>
      %parallel_loop3A_104 = arith.constant -65536 : i32
      %parallel_loop3A_105 = vector.broadcast %parallel_loop3A_104 : i32 to vector<16xi32>
      %parallel_loop3A_106 = arith.andi %parallel_loop3A_82, %parallel_loop3A_105 : vector<16xi32>
      %parallel_loop3A_107 = tpu.bitcast %parallel_loop3A_106 : vector<16xi32> -> vector<16xf32>
      %parallel_loop3A_108 = arith.addf %parallel_loop3A_103, %parallel_loop3A_107 : vector<16xf32>
      %parallel_loop3A_109 = arith.constant 0 : i32
      %parallel_loop3A_110 = arith.constant 0 : i32
      %parallel_loop3A_111 = tpu.memref_slice %arg11[%parallel_loop3A_109, %parallel_loop3A_110] : memref<128x128xf32, #tpu.memory_space<vmem>> -> memref<16x128xf32, #tpu.memory_space<vmem>>
      %parallel_loop3A_112 = arith.index_cast %parallel_loop3A_68 : i32 to index
      %parallel_loop3A_113 = arith.constant 16 : index
      %parallel_loop3A_114 = tpu.vector_load %parallel_loop3A_111[%parallel_loop3A_112, %parallel_loop3A_113] {strides = array<i32>} : memref<16x128xf32, #tpu.memory_space<vmem>>, vector<1x16xf32>,
      %parallel_loop3A_115 = vector.shape_cast %parallel_loop3A_114 : vector<1x16xf32> to vector<16xf32>
      %parallel_loop3A_116 = vector.shape_cast %parallel_loop3A_108 : vector<16xf32> to vector<1x16xf32>
      tpu.vector_store %parallel_loop3A_111[%parallel_loop3A_112, %parallel_loop3A_113], %parallel_loop3A_116 {strides = array<i32>} : memref<16x128xf32, #tpu.memory_space<vmem>>, vector<1x16xf32>,
      %parallel_loop3A_117 = arith.constant 0 : i32
      %parallel_loop3A_118 = arith.constant 0 : i32
      %parallel_loop3A_119 = tpu.memref_slice %arg9[%parallel_loop3A_117, %parallel_loop3A_118] : memref<128x64xi32, #tpu.memory_space<vmem>> -> memref<16x64xi32, #tpu.memory_space<vmem>>
      %parallel_loop3A_120 = arith.index_cast %parallel_loop3A_68 : i32 to index
      %parallel_loop3A_121 = arith.constant 16 : index
      %parallel_loop3A_122 = tpu.vector_load %parallel_loop3A_119[%parallel_loop3A_120, %parallel_loop3A_121] {strides = array<i32>} : memref<16x64xi32, #tpu.memory_space<vmem>>, vector<1x16xi32>,
      %parallel_loop3A_123 = vector.shape_cast %parallel_loop3A_122 : vector<1x16xi32> to vector<16xi32>
      %parallel_loop3A_124 = arith.constant 0 : i32
      %parallel_loop3A_125 = arith.constant 0 : i32
      %parallel_loop3A_126 = tpu.memref_slice %arg10[%parallel_loop3A_124, %parallel_loop3A_125] : memref<128x64xi32, #tpu.memory_space<vmem>> -> memref<16x64xi32, #tpu.memory_space<vmem>>
      %parallel_loop3A_127 = arith.index_cast %parallel_loop3A_68 : i32 to index
      %parallel_loop3A_128 = arith.constant 16 : index
      %parallel_loop3A_129 = tpu.vector_load %parallel_loop3A_126[%parallel_loop3A_127, %parallel_loop3A_128] {strides = array<i32>} : memref<16x64xi32, #tpu.memory_space<vmem>>, vector<1x16xi32>,
      %parallel_loop3A_130 = vector.shape_cast %parallel_loop3A_129 : vector<1x16xi32> to vector<16xi32>
      %parallel_loop3A_131 = arith.constant 16 : i32
      %parallel_loop3A_132 = vector.broadcast %parallel_loop3A_131 : i32 to vector<16xi32>
      %parallel_loop3A_133 = arith.shli %parallel_loop3A_123, %parallel_loop3A_132 : vector<16xi32>
      %parallel_loop3A_134 = tpu.bitcast %parallel_loop3A_133 : vector<16xi32> -> vector<16xf32>
      %parallel_loop3A_135 = arith.constant 16 : i32
      %parallel_loop3A_136 = vector.broadcast %parallel_loop3A_135 : i32 to vector<16xi32>
      %parallel_loop3A_137 = arith.shli %parallel_loop3A_130, %parallel_loop3A_136 : vector<16xi32>
      %parallel_loop3A_138 = tpu.bitcast %parallel_loop3A_137 : vector<16xi32> -> vector<16xf32>
      %parallel_loop3A_139 = arith.addf %parallel_loop3A_134, %parallel_loop3A_138 : vector<16xf32>
      %parallel_loop3A_140 = arith.constant 0 : i32
      %parallel_loop3A_141 = arith.constant 0 : i32
      %parallel_loop3A_142 = tpu.memref_slice %arg11[%parallel_loop3A_140, %parallel_loop3A_141] : memref<128x128xf32, #tpu.memory_space<vmem>> -> memref<16x128xf32, #tpu.memory_space<vmem>>
      %parallel_loop3A_143 = arith.index_cast %parallel_loop3A_68 : i32 to index
      %parallel_loop3A_144 = arith.constant 32 : index
      %parallel_loop3A_145 = tpu.vector_load %parallel_loop3A_142[%parallel_loop3A_143, %parallel_loop3A_144] {strides = array<i32>} : memref<16x128xf32, #tpu.memory_space<vmem>>, vector<1x16xf32>,
      %parallel_loop3A_146 = vector.shape_cast %parallel_loop3A_145 : vector<1x16xf32> to vector<16xf32>
      %parallel_loop3A_147 = vector.shape_cast %parallel_loop3A_139 : vector<16xf32> to vector<1x16xf32>
      tpu.vector_store %parallel_loop3A_142[%parallel_loop3A_143, %parallel_loop3A_144], %parallel_loop3A_147 {strides = array<i32>} : memref<16x128xf32, #tpu.memory_space<vmem>>, vector<1x16xf32>,
      %parallel_loop3A_148 = arith.constant -65536 : i32
      %parallel_loop3A_149 = vector.broadcast %parallel_loop3A_148 : i32 to vector<16xi32>
      %parallel_loop3A_150 = arith.andi %parallel_loop3A_123, %parallel_loop3A_149 : vector<16xi32>
      %parallel_loop3A_151 = tpu.bitcast %parallel_loop3A_150 : vector<16xi32> -> vector<16xf32>
      %parallel_loop3A_152 = arith.constant -65536 : i32
      %parallel_loop3A_153 = vector.broadcast %parallel_loop3A_152 : i32 to vector<16xi32>
      %parallel_loop3A_154 = arith.andi %parallel_loop3A_130, %parallel_loop3A_153 : vector<16xi32>
      %parallel_loop3A_155 = tpu.bitcast %parallel_loop3A_154 : vector<16xi32> -> vector<16xf32>
      %parallel_loop3A_156 = arith.addf %parallel_loop3A_151, %parallel_loop3A_155 : vector<16xf32>
      %parallel_loop3A_157 = arith.constant 0 : i32
      %parallel_loop3A_158 = arith.constant 0 : i32
      %parallel_loop3A_159 = tpu.memref_slice %arg11[%parallel_loop3A_157, %parallel_loop3A_158] : memref<128x128xf32, #tpu.memory_space<vmem>> -> memref<16x128xf32, #tpu.memory_space<vmem>>
      %parallel_loop3A_160 = arith.index_cast %parallel_loop3A_68 : i32 to index
      %parallel_loop3A_161 = arith.constant 48 : index
      %parallel_loop3A_162 = tpu.vector_load %parallel_loop3A_159[%parallel_loop3A_160, %parallel_loop3A_161] {strides = array<i32>} : memref<16x128xf32, #tpu.memory_space<vmem>>, vector<1x16xf32>,
      %parallel_loop3A_163 = vector.shape_cast %parallel_loop3A_162 : vector<1x16xf32> to vector<16xf32>
      %parallel_loop3A_164 = vector.shape_cast %parallel_loop3A_156 : vector<16xf32> to vector<1x16xf32>
      tpu.vector_store %parallel_loop3A_159[%parallel_loop3A_160, %parallel_loop3A_161], %parallel_loop3A_164 {strides = array<i32>} : memref<16x128xf32, #tpu.memory_space<vmem>>, vector<1x16xf32>,
      %parallel_loop3A_165 = arith.constant 0 : i32
      %parallel_loop3A_166 = arith.constant 0 : i32
      %parallel_loop3A_167 = tpu.memref_slice %arg9[%parallel_loop3A_165, %parallel_loop3A_166] : memref<128x64xi32, #tpu.memory_space<vmem>> -> memref<16x64xi32, #tpu.memory_space<vmem>>
      %parallel_loop3A_168 = arith.index_cast %parallel_loop3A_68 : i32 to index
      %parallel_loop3A_169 = arith.constant 32 : index
      %parallel_loop3A_170 = tpu.vector_load %parallel_loop3A_167[%parallel_loop3A_168, %parallel_loop3A_169] {strides = array<i32>} : memref<16x64xi32, #tpu.memory_space<vmem>>, vector<1x16xi32>,
      %parallel_loop3A_171 = vector.shape_cast %parallel_loop3A_170 : vector<1x16xi32> to vector<16xi32>
      %parallel_loop3A_172 = arith.constant 0 : i32
      %parallel_loop3A_173 = arith.constant 0 : i32
      %parallel_loop3A_174 = tpu.memref_slice %arg10[%parallel_loop3A_172, %parallel_loop3A_173] : memref<128x64xi32, #tpu.memory_space<vmem>> -> memref<16x64xi32, #tpu.memory_space<vmem>>
      %parallel_loop3A_175 = arith.index_cast %parallel_loop3A_68 : i32 to index
      %parallel_loop3A_176 = arith.constant 32 : index
      %parallel_loop3A_177 = tpu.vector_load %parallel_loop3A_174[%parallel_loop3A_175, %parallel_loop3A_176] {strides = array<i32>} : memref<16x64xi32, #tpu.memory_space<vmem>>, vector<1x16xi32>,
      %parallel_loop3A_178 = vector.shape_cast %parallel_loop3A_177 : vector<1x16xi32> to vector<16xi32>
      %parallel_loop3A_179 = arith.constant 16 : i32
      %parallel_loop3A_180 = vector.broadcast %parallel_loop3A_179 : i32 to vector<16xi32>
      %parallel_loop3A_181 = arith.shli %parallel_loop3A_171, %parallel_loop3A_180 : vector<16xi32>
      %parallel_loop3A_182 = tpu.bitcast %parallel_loop3A_181 : vector<16xi32> -> vector<16xf32>
      %parallel_loop3A_183 = arith.constant 16 : i32
      %parallel_loop3A_184 = vector.broadcast %parallel_loop3A_183 : i32 to vector<16xi32>
      %parallel_loop3A_185 = arith.shli %parallel_loop3A_178, %parallel_loop3A_184 : vector<16xi32>
      %parallel_loop3A_186 = tpu.bitcast %parallel_loop3A_185 : vector<16xi32> -> vector<16xf32>
      %parallel_loop3A_187 = arith.addf %parallel_loop3A_182, %parallel_loop3A_186 : vector<16xf32>
      %parallel_loop3A_188 = arith.constant 0 : i32
      %parallel_loop3A_189 = arith.constant 0 : i32
      %parallel_loop3A_190 = tpu.memref_slice %arg11[%parallel_loop3A_188, %parallel_loop3A_189] : memref<128x128xf32, #tpu.memory_space<vmem>> -> memref<16x128xf32, #tpu.memory_space<vmem>>
      %parallel_loop3A_191 = arith.index_cast %parallel_loop3A_68 : i32 to index
      %parallel_loop3A_192 = arith.constant 64 : index
      %parallel_loop3A_193 = tpu.vector_load %parallel_loop3A_190[%parallel_loop3A_191, %parallel_loop3A_192] {strides = array<i32>} : memref<16x128xf32, #tpu.memory_space<vmem>>, vector<1x16xf32>,
      %parallel_loop3A_194 = vector.shape_cast %parallel_loop3A_193 : vector<1x16xf32> to vector<16xf32>
      %parallel_loop3A_195 = vector.shape_cast %parallel_loop3A_187 : vector<16xf32> to vector<1x16xf32>
      tpu.vector_store %parallel_loop3A_190[%parallel_loop3A_191, %parallel_loop3A_192], %parallel_loop3A_195 {strides = array<i32>} : memref<16x128xf32, #tpu.memory_space<vmem>>, vector<1x16xf32>,
      %parallel_loop3A_196 = arith.constant -65536 : i32
      %parallel_loop3A_197 = vector.broadcast %parallel_loop3A_196 : i32 to vector<16xi32>
      %parallel_loop3A_198 = arith.andi %parallel_loop3A_171, %parallel_loop3A_197 : vector<16xi32>
      %parallel_loop3A_199 = tpu.bitcast %parallel_loop3A_198 : vector<16xi32> -> vector<16xf32>
      %parallel_loop3A_200 = arith.constant -65536 : i32
      %parallel_loop3A_201 = vector.broadcast %parallel_loop3A_200 : i32 to vector<16xi32>
      %parallel_loop3A_202 = arith.andi %parallel_loop3A_178, %parallel_loop3A_201 : vector<16xi32>
      %parallel_loop3A_203 = tpu.bitcast %parallel_loop3A_202 : vector<16xi32> -> vector<16xf32>
      %parallel_loop3A_204 = arith.addf %parallel_loop3A_199, %parallel_loop3A_203 : vector<16xf32>
      %parallel_loop3A_205 = arith.constant 0 : i32
      %parallel_loop3A_206 = arith.constant 0 : i32
      %parallel_loop3A_207 = tpu.memref_slice %arg11[%parallel_loop3A_205, %parallel_loop3A_206] : memref<128x128xf32, #tpu.memory_space<vmem>> -> memref<16x128xf32, #tpu.memory_space<vmem>>
      %parallel_loop3A_208 = arith.index_cast %parallel_loop3A_68 : i32 to index
      %parallel_loop3A_209 = arith.constant 80 : index
      %parallel_loop3A_210 = tpu.vector_load %parallel_loop3A_207[%parallel_loop3A_208, %parallel_loop3A_209] {strides = array<i32>} : memref<16x128xf32, #tpu.memory_space<vmem>>, vector<1x16xf32>,
      %parallel_loop3A_211 = vector.shape_cast %parallel_loop3A_210 : vector<1x16xf32> to vector<16xf32>
      %parallel_loop3A_212 = vector.shape_cast %parallel_loop3A_204 : vector<16xf32> to vector<1x16xf32>
      tpu.vector_store %parallel_loop3A_207[%parallel_loop3A_208, %parallel_loop3A_209], %parallel_loop3A_212 {strides = array<i32>} : memref<16x128xf32, #tpu.memory_space<vmem>>, vector<1x16xf32>,
      %parallel_loop3A_213 = arith.constant 0 : i32
      %parallel_loop3A_214 = arith.constant 0 : i32
      %parallel_loop3A_215 = tpu.memref_slice %arg9[%parallel_loop3A_213, %parallel_loop3A_214] : memref<128x64xi32, #tpu.memory_space<vmem>> -> memref<16x64xi32, #tpu.memory_space<vmem>>
      %parallel_loop3A_216 = arith.index_cast %parallel_loop3A_68 : i32 to index
      %parallel_loop3A_217 = arith.constant 48 : index
      %parallel_loop3A_218 = tpu.vector_load %parallel_loop3A_215[%parallel_loop3A_216, %parallel_loop3A_217] {strides = array<i32>} : memref<16x64xi32, #tpu.memory_space<vmem>>, vector<1x16xi32>,
      %parallel_loop3A_219 = vector.shape_cast %parallel_loop3A_218 : vector<1x16xi32> to vector<16xi32>
      %parallel_loop3A_220 = arith.constant 0 : i32
      %parallel_loop3A_221 = arith.constant 0 : i32
      %parallel_loop3A_222 = tpu.memref_slice %arg10[%parallel_loop3A_220, %parallel_loop3A_221] : memref<128x64xi32, #tpu.memory_space<vmem>> -> memref<16x64xi32, #tpu.memory_space<vmem>>
      %parallel_loop3A_223 = arith.index_cast %parallel_loop3A_68 : i32 to index
      %parallel_loop3A_224 = arith.constant 48 : index
      %parallel_loop3A_225 = tpu.vector_load %parallel_loop3A_222[%parallel_loop3A_223, %parallel_loop3A_224] {strides = array<i32>} : memref<16x64xi32, #tpu.memory_space<vmem>>, vector<1x16xi32>,
      %parallel_loop3A_226 = vector.shape_cast %parallel_loop3A_225 : vector<1x16xi32> to vector<16xi32>
      %parallel_loop3A_227 = arith.constant 16 : i32
      %parallel_loop3A_228 = vector.broadcast %parallel_loop3A_227 : i32 to vector<16xi32>
      %parallel_loop3A_229 = arith.shli %parallel_loop3A_219, %parallel_loop3A_228 : vector<16xi32>
      %parallel_loop3A_230 = tpu.bitcast %parallel_loop3A_229 : vector<16xi32> -> vector<16xf32>
      %parallel_loop3A_231 = arith.constant 16 : i32
      %parallel_loop3A_232 = vector.broadcast %parallel_loop3A_231 : i32 to vector<16xi32>
      %parallel_loop3A_233 = arith.shli %parallel_loop3A_226, %parallel_loop3A_232 : vector<16xi32>
      %parallel_loop3A_234 = tpu.bitcast %parallel_loop3A_233 : vector<16xi32> -> vector<16xf32>
      %parallel_loop3A_235 = arith.addf %parallel_loop3A_230, %parallel_loop3A_234 : vector<16xf32>
      %parallel_loop3A_236 = arith.constant 0 : i32
      %parallel_loop3A_237 = arith.constant 0 : i32
      %parallel_loop3A_238 = tpu.memref_slice %arg11[%parallel_loop3A_236, %parallel_loop3A_237] : memref<128x128xf32, #tpu.memory_space<vmem>> -> memref<16x128xf32, #tpu.memory_space<vmem>>
      %parallel_loop3A_239 = arith.index_cast %parallel_loop3A_68 : i32 to index
      %parallel_loop3A_240 = arith.constant 96 : index
      %parallel_loop3A_241 = tpu.vector_load %parallel_loop3A_238[%parallel_loop3A_239, %parallel_loop3A_240] {strides = array<i32>} : memref<16x128xf32, #tpu.memory_space<vmem>>, vector<1x16xf32>,
      %parallel_loop3A_242 = vector.shape_cast %parallel_loop3A_241 : vector<1x16xf32> to vector<16xf32>
      %parallel_loop3A_243 = vector.shape_cast %parallel_loop3A_235 : vector<16xf32> to vector<1x16xf32>
      tpu.vector_store %parallel_loop3A_238[%parallel_loop3A_239, %parallel_loop3A_240], %parallel_loop3A_243 {strides = array<i32>} : memref<16x128xf32, #tpu.memory_space<vmem>>, vector<1x16xf32>,
      %parallel_loop3A_244 = arith.constant -65536 : i32
      %parallel_loop3A_245 = vector.broadcast %parallel_loop3A_244 : i32 to vector<16xi32>
      %parallel_loop3A_246 = arith.andi %parallel_loop3A_219, %parallel_loop3A_245 : vector<16xi32>
      %parallel_loop3A_247 = tpu.bitcast %parallel_loop3A_246 : vector<16xi32> -> vector<16xf32>
      %parallel_loop3A_248 = arith.constant -65536 : i32
      %parallel_loop3A_249 = vector.broadcast %parallel_loop3A_248 : i32 to vector<16xi32>
      %parallel_loop3A_250 = arith.andi %parallel_loop3A_226, %parallel_loop3A_249 : vector<16xi32>
      %parallel_loop3A_251 = tpu.bitcast %parallel_loop3A_250 : vector<16xi32> -> vector<16xf32>
      %parallel_loop3A_252 = arith.addf %parallel_loop3A_247, %parallel_loop3A_251 : vector<16xf32>
      %parallel_loop3A_253 = arith.constant 0 : i32
      %parallel_loop3A_254 = arith.constant 0 : i32
      %parallel_loop3A_255 = tpu.memref_slice %arg11[%parallel_loop3A_253, %parallel_loop3A_254] : memref<128x128xf32, #tpu.memory_space<vmem>> -> memref<16x128xf32, #tpu.memory_space<vmem>>
      %parallel_loop3A_256 = arith.index_cast %parallel_loop3A_68 : i32 to index
      %parallel_loop3A_257 = arith.constant 112 : index
      %parallel_loop3A_258 = tpu.vector_load %parallel_loop3A_255[%parallel_loop3A_256, %parallel_loop3A_257] {strides = array<i32>} : memref<16x128xf32, #tpu.memory_space<vmem>>, vector<1x16xf32>,
      %parallel_loop3A_259 = vector.shape_cast %parallel_loop3A_258 : vector<1x16xf32> to vector<16xf32>
      %parallel_loop3A_260 = vector.shape_cast %parallel_loop3A_252 : vector<16xf32> to vector<1x16xf32>
      tpu.vector_store %parallel_loop3A_255[%parallel_loop3A_256, %parallel_loop3A_257], %parallel_loop3A_260 {strides = array<i32>} : memref<16x128xf32, #tpu.memory_space<vmem>>, vector<1x16xf32>,
    } {sc.loop_unroll_factor = 2 : i64, sc.parallel_access}
    %lt3A_58 = arith.constant 2 : i32
    %lt3A_59 = arith.cmpi slt, %add3A, %lt3A_58 : i32
    %convert_element_type3A_60 = arith.extui %lt3A_59 : i1 to i32
    %cond3A_61 = arith.constant 0 : i32
    %cond3A_62 = arith.cmpi ne, %convert_element_type3A_60, %cond3A_61 : i32
    scf.if %cond3A_62 {
      %mul3A_68 = arith.constant 320 : i32
      %mul3A_69 = arith.muli %add3A, %mul3A_68 : i32
      %dma_wait3A_70 = arith.constant 0 : i32
      %dma_wait3A_71 = tpu.memref_slice %arg6[%mul3A_69, %dma_wait3A_70] : memref<330000x128xf32, #tpu.memory_space<hbm>> -> memref<320x128xf32, #tpu.memory_space<hbm>>
      %dma_wait3A_72 = arith.constant 0 : i32
      %dma_wait3A_73 = tpu.memref_slice %arg2[%mul3A_69, %dma_wait3A_72] : memref<10000x128xf32, #tpu.memory_space<hbm>> -> memref<320x128xf32, #tpu.memory_space<hbm>>
      tpu.wait_dma2 semaphore(%arg19 : memref<!tpu.dma_semaphore, #tpu.memory_space<semaphore_mem>>) src(%dma_wait3A_73 : memref<320x128xf32, #tpu.memory_space<hbm>>) dst(%dma_wait3A_71 : memref<320x128xf32, #tpu.memory_space<hbm>>)
    } else {
    }
    %ge3A_63 = arith.constant 2 : i32
    %ge3A_64 = arith.cmpi sge, %add3A, %ge3A_63 : i32
    %convert_element_type3A_65 = arith.extui %ge3A_64 : i1 to i32
    %cond3A_66 = arith.constant 0 : i32
    %cond3A_67 = arith.cmpi ne, %convert_element_type3A_65, %cond3A_66 : i32
    scf.if %cond3A_67 {
      %sub3A = arith.constant 2 : i32
      %sub3A_68 = arith.subi %add3A, %sub3A : i32
      %mul3A_69 = arith.constant 312 : i32
      %mul3A_70 = arith.muli %sub3A_68, %mul3A_69 : i32
      %add3A_71 = arith.constant 640 : i32
      %add3A_72 = arith.addi %add3A_71, %mul3A_70 : i32
      %dma_wait3A_73 = arith.constant 0 : i32
      %dma_wait3A_74 = tpu.memref_slice %arg6[%add3A_72, %dma_wait3A_73] : memref<330000x128xf32, #tpu.memory_space<hbm>> -> memref<312x128xf32, #tpu.memory_space<hbm>>
      %dma_wait3A_75 = arith.constant 0 : i32
      %dma_wait3A_76 = tpu.memref_slice %arg2[%add3A_72, %dma_wait3A_75] : memref<10000x128xf32, #tpu.memory_space<hbm>> -> memref<312x128xf32, #tpu.memory_space<hbm>>
      tpu.wait_dma2 semaphore(%arg19 : memref<!tpu.dma_semaphore, #tpu.memory_space<semaphore_mem>>) src(%dma_wait3A_76 : memref<312x128xf32, #tpu.memory_space<hbm>>) dst(%dma_wait3A_74 : memref<312x128xf32, #tpu.memory_space<hbm>>)
    } else {
    }
    return
  }
}

</mosaic_0001>

<sc_bundles>
// kernel: kernel.3.cloned.1.call-start
scs
__scs_entry_jumppad:
0x0: {  	(pc) =	sbr.rel $0x88, $3  }
0x1: {  	(tag) =	ssettag $0x0;
	lr =	simm.s32 $0x1  }
0x2: {  	[smem:$0x3F9F] =	sst lr;
	_ =	strace $0xD0000000  }
0x3: {  	_ = 	snop  }
0x4: {  	_ = 	snop  }
0x5: {  	_ = 	snop  }
0x6: {  	_ = 	snop  }
0x7: {  	_ = 	snop  }
__scs_overlays_trampoline_lowered:
0x8: {  	[smem:$0x3FAE] =	sst s0  }
0x9: {  	[smem:$0x3FAF] =	sst s1  }
0xa: {  	[smem:$0x3FB0] =	sst s2  }
0xb: {  	[smem:$0x3FB1] =	sst s3  }
0xc: {  	[smem:$0x3FB2] =	sst s4  }
0xd: {  	[smem:$0x3FB3] =	sst s5  }
0xe: {  	[smem:$0x3FB4] =	sst s6  }
0xf: {  	[smem:$0x3FB5] =	sst s7  }
0x10: {  	[smem:$0x3FB6] =	sst s8  }
0x11: {  	[smem:$0x3FB7] =	sst s9;
	s0 =	simm.s32 @!p0 $0x0  }
0x12: {  	s1 =	sld [smem:$0x3F9D];
	s0 =	simm.s32 @p0 $0x1  }
0x13: {  	[smem:$0x3FB8] =	sst s0;
	s0 =	simm.s32 @!p1 $0x0  }
0x14: {  	s2 =	sld [smem:$0x3F9C];
	s0 =	simm.s32 @p1 $0x1  }
0x15: {  	[smem:$0x3FB9] =	sst s0;
	s0 =	simm.s32 @!p2 $0x0  }
0x16: {  	s3 =	sld [smem:$0x3FDB];
	s0 =	simm.s32 @p2 $0x1  }
0x17: {  	s4 =	simm.s32 $0x1BF5;
	[smem:$0x3FBB] =	sst s0  }
0x18: {  	s0 =	sld [smem:$0x3F9E];
	_ =	swait.ge [sflag:s4], $0x0  }
0x19: {  	s7 =	sld [smem:$0x3F9F]  }
0x1a: {  	s8 =	sadd.s32 $0xFFFFE003, lr  }
0x1b: {  	s9 =	sadd.s32 $0xFFFFFEF7, lr;
	s5 =	simm.s32 $0xFFFFFFFF;
	p2 =	slt.u32 s8, $0xFFFFF086  }
0x1c: {  	p1 =	slt.u32 s9, $0xF7A;
	s5 =	simm.s32 @!p2 $0x0  }
0x1d: {  	s5 =	simm.s32 @p1 $0x1;
	p0 =	seq.s32 s7, s2  }
0x1e: {  	s7 =	smul.u32 @!p0 $0xF7A, s2;
	p2 =	seq.s32 @!p0 s5, $0x0  }
0x1f: {  	s9 =	smul.u32 $0xF7A, s1;
	s8 =	simm.s32 @!p0 $0x1BF5;
	p2 =	por !p2, p0  }
0x20: {  	[sflag:s8] =	ssyncset.s32 @!p0 $0xFFFFF086;
	s6 =	sadd.s32 @!p0 s3, s7;
	s7 =	simm.s32 @!p0 $0x108  }
0x21: {  	s3 =	sadd.s32 s3, s9;
	s6 =	sadd.s32 @!p0 $0x88, s6;
	s7 =	simm.s32 @p2 $0x1082  }
0x22: {  	[simem:s7], [sflag:s8] =	dma.local @!p0 [hbm:s6], $0xF7A  }
0x23: {  	s9 =	sor.u32 $0xD0000000, s2;
	s6 =	simm.s32 $0x108;
	_ =	swait.ge @!p0 [sflag:s8], $0x0  }
0x24: {  	s3 =	sadd.s32 $0x88, s3;
	s6 =	simm.s32 @!p1 $0x1082;
	[sflag:s4] =	ssyncset.s32 $0xFFFFF086  }
0x25: {  	[simem:s6], [sflag:s4] =	dma.local [hbm:s3], $0xF7A  }
0x26: {  	[smem:$0x3F9F] =	sst s1;
	(tag) =	ssettag s2;
	_ =	strace s9  }
0x27: {  	s1 =	sld [smem:$0x3FAF]  }
0x28: {  	s2 =	sld [smem:$0x3FB0]  }
0x29: {  	s4 =	sld [smem:$0x3FB2]  }
0x2a: {  	p0 =	seq.s32 s5, $0x0;
	s5 =	sld [smem:$0x3FB3]  }
0x2b: {  	s6 =	sld [smem:$0x3FB4]  }
0x2c: {  	s7 =	sld [smem:$0x3FB5]  }
0x2d: {  	s3 =	simm.s32 $0x108;
	s8 =	sld [smem:$0x3FB6]  }
0x2e: {  	s3 =	simm.s32 @!p0 $0x1082;
	s9 =	sld [smem:$0x3FB7]  }
0x2f: {  	lr =	sadd.s32 s0, s3;
	s0 =	sld [smem:$0x3FAE]  }
0x30: {  	s3 =	sld [smem:$0x3FB1]  }
0x31: {  	[smem:$0x3FBA] =	sst s10  }
0x32: {  	s10 =	sld [smem:$0x3FB8];
	_ =	sdelay $0x3  }
0x33: {  	p0 =	seq.s32 s10, $0x1;
	s10 =	sld [smem:$0x3FBA];
	_ =	sdelay $0x3  }
0x34: {  	[smem:$0x3FBA] =	sst s10  }
0x35: {  	s10 =	sld [smem:$0x3FB9];
	_ =	sdelay $0x3  }
0x36: {  	p1 =	seq.s32 s10, $0x1;
	s10 =	sld [smem:$0x3FBA];
	_ =	sdelay $0x3  }
0x37: {  	[smem:$0x3FBA] =	sst s10  }
0x38: {  	s10 =	sld [smem:$0x3FBB]  }
0x39: {  	_ = 	snop;
	(pc) =	sbr.ind lr, $3  }
0x3a: {  	_ = 	snop  }
0x3b: {  	_ = 	snop  }
0x3c: {  	p2 =	seq.s32 s10, $0x1;
	s10 =	sld [smem:$0x3FBA]  }
0x3d: {  	_ =	shalt  }
0x3e: {  	_ =	shalt  }
0x3f: {  	_ =	shalt  }
0x40: {  	_ =	shalt  }
0x41: {  	_ =	shalt  }
0x42: {  	_ =	shalt  }
0x43: {  	_ =	shalt  }
0x44: {  	_ =	shalt  }
0x45: {  	_ =	shalt  }
0x46: {  	_ =	shalt  }
0x47: {  	_ =	shalt  }
0x48: {  	_ =	shalt  }
0x49: {  	_ =	shalt  }
0x4a: {  	_ =	shalt  }
0x4b: {  	_ =	shalt  }
0x4c: {  	_ =	shalt  }
0x4d: {  	_ =	shalt  }
0x4e: {  	_ =	shalt  }
0x4f: {  	_ =	shalt  }
0x50: {  	_ =	shalt  }
0x51: {  	_ =	shalt  }
0x52: {  	_ =	shalt  }
0x53: {  	_ =	shalt  }
0x54: {  	_ =	shalt  }
0x55: {  	_ =	shalt  }
0x56: {  	_ =	shalt  }
0x57: {  	_ =	shalt  }
0x58: {  	_ =	shalt  }
0x59: {  	_ =	shalt  }
0x5a: {  	_ =	shalt  }
0x5b: {  	_ =	shalt  }
0x5c: {  	_ =	shalt  }
0x5d: {  	_ =	shalt  }
0x5e: {  	_ =	shalt  }
0x5f: {  	_ =	shalt  }
0x60: {  	_ =	shalt  }
0x61: {  	_ =	shalt  }
0x62: {  	_ =	shalt  }
0x63: {  	_ =	shalt  }
0x64: {  	_ =	shalt  }
0x65: {  	_ =	shalt  }
0x66: {  	_ =	shalt  }
0x67: {  	_ =	shalt  }
0x68: {  	_ =	shalt  }
0x69: {  	_ =	shalt  }
0x6a: {  	_ =	shalt  }
0x6b: {  	_ =	shalt  }
0x6c: {  	_ =	shalt  }
0x6d: {  	_ =	shalt  }
0x6e: {  	_ =	shalt  }
0x6f: {  	_ =	shalt  }
0x70: {  	_ =	shalt  }
0x71: {  	_ =	shalt  }
0x72: {  	_ =	shalt  }
0x73: {  	_ =	shalt  }
0x74: {  	_ =	shalt  }
0x75: {  	_ =	shalt  }
0x76: {  	_ =	shalt  }
0x77: {  	_ =	shalt  }
0x78: {  	_ =	shalt  }
0x79: {  	_ =	shalt  }
0x7a: {  	_ =	shalt  }
0x7b: {  	_ =	shalt  }
0x7c: {  	_ =	shalt  }
0x7d: {  	_ =	shalt  }
0x7e: {  	_ =	shalt  }
0x7f: {  	_ =	shalt  }
0x80: {  	_ =	shalt  }
0x81: {  	_ =	shalt  }
0x82: {  	_ =	shalt  }
0x83: {  	_ =	shalt  }
0x84: {  	_ =	shalt  }
0x85: {  	_ =	shalt  }
0x86: {  	_ =	shalt  }
0x87: {  	_ =	shalt  }
.Lfunc_end0:
.L_simem_size_0:
called_computation_lowered:
.L_overlay_start_0:
0x88: {  	s2 =	sld [smem:$0x3FD9]  }
0x89: {  	s3 =	sld [smem:$0x3FFE];
	_ =	sdelay $0x1  }
0x8a: {  	s1 =	srdreg.scid  }
0x8b: {  	s0 =	sand.u32 $0x1, s1  }
0x8c: {  	s17 =	sshll.u32 s0, $0xA;
	s2 =	sadd.s32 s3, s2  }
0x8d: {  	s2 =	sadd.s32 s2, s17  }
0x8e: {  	[smem:$0x3FC6] =	sst s2  }
0x8f: {  	_ = 	snop  }
0x90: {  	s2 =	sld [smem:$0x3FC9]  }
0x91: {  	s18 =	sld [smem:$0x3FD0];
	(tm) =	ssettm $0x1  }
0x92: {  	s4 =	sld [smem:$0x3FFB];
	_ =	sdelay $0x3  }
0x93: {  	_ =	strace s4  }
0x94: {  	s4 =	sld [smem:$0x3FFC];
	_ =	sdelay $0x3  }
0x95: {  	_ =	strace s4  }
0x96: {  	s4 =	sld [smem:$0x3FFD];
	_ =	sdelay $0x3  }
0x97: {  	_ =	strace s4  }
0x98: {  	_ =	strace $0x8FFFFFFF  }
0x99: {  	s19 =	sld [smem:$0x3FDB];
	_ =	sdelay $0x1  }
0x9a: {  	s5 =	simm.s32 $_scs_section_size  }
0x9b: {  	s6 =	simm.s32 $_size__tile_overlayer_lowered;
	s7 =	simm.s32 $_tile_overlayer_lowered  }
0x9c: {  	s22 =	simm.s32 $0x1BFF;
	s21 =	sshll.u32 s7, $0x1;
	s4 =	sadd.s32 s5, s19  }
0x9d: {  	s8 =	simm.s32 $0x0;
	s20 =	sshll.u32 s6, $0x1;
	s6 =	sadd.s32 s21, s4  }
0x9e: {  	[timem:s8], [sflag:s22] =	dma.local [hbm:s6], s20  }
0x9f: {  	_ =	swait.ge [sflag:s22], s20  }
0xa0: {  	s5 =	ssub.s32 $0x0, s20;
	[sflag:s22] =	ssyncset.done $0x0  }
0xa1: {  	[sflag:s22] =	ssyncadd.s32 s5;
	_ =	sdelay $0x1  }
0xa2: {  	s23 =	simm.s32 $0x1B8B  }
0xa3: {  	_ =	swait.ge [sflag:s23], $0x1  }
0xa4: {  	[sflag:s23] =	ssyncset.done $0x0  }
0xa5: {  	s25 =	simm.s32 $0x1B8E;
	s24 =	sld [smem:$0x3FFE];
	[sflag:s23] =	ssyncadd.s32 $0xFFFFFFFF  }
0xa6: {  	s26 =	simm.s32 $execute0_lowered;
	[smem:$0x3FD2] =	sst s25  }
0xa7: {  	s6 =	sshll.u32 s26, $0x1;
	_ =	strace $0x80000046;
	[dreg:$0x1] =	wrdreg $0xFFFFFFFF  }
0xa8: {  	s28 =	simm.s32 $_size_execute0_lowered;
	s4 =	sadd.s32 s4, s6;
	[dreg:$0x0] =	wrdreg $0x0  }
0xa9: {  	s6 =	sshll.u32 s28, $0x1;
	[dreg:$0x2] =	wrdreg s4  }
0xaa: {  	[dreg:$0x3] =	wrdreg s6  }
0xab: {  	[dreg:$0x4] =	wrdreg $0xC0  }
0xac: {  	_ =	task [dreg:s8], $0x5FFFF  }
0xad: {  	[dreg:$0x1] =	wrdreg $0xFFFFFFFF  }
0xae: {  	[dreg:$0x0] =	wrdreg $0x60  }
0xaf: {  	[dreg:$0x2] =	wrdreg s2  }
0xb0: {  	[dreg:$0x3] =	wrdreg s24  }
0xb1: {  	[dreg:$0x4] =	wrdreg s18  }
0xb2: {  	[dreg:$0x5] =	wrdreg $0x9  }
0xb3: {  	_ =	task.clear_ibuf [dreg:s8], $0x6FFFF;
	_ =	strace $0x90000046  }
0xb4: {  	s29 =	simm.s32 $0x9;
	_ =	strace $0x80000048  }
0xb5: {  	_ =	swait.ge [sflag:s29], $0x1  }
0xb6: {  	[sflag:s29] =	ssyncadd.s32 $0xFFFFFFFF  }
0xb7: {  	_ =	strace $0x90000048  }
0xb8: {  	_ =	sfence  }
0xb9: {  	s30 =	sld [smem:$0x0];
	_ =	sdelay $0x2  }
0xba: {  	s31 =	sshll.u32 s1, $0xD;
	s1 =	sshrl.u32 s1, $0x2  }
0xbb: {  	s3 =	sand.u32 $0x4000, s31;
	s1 =	sadd.s32 s1, s30  }
0xbc: {  	s0 =	sor.u32 s3, s0;
	s1 =	sshll.u32 s1, $0x11  }
0xbd: {  	s0 =	sor.u32 s1, s0  }
0xbe: {  	s0 =	sadd.s32 $0x8F2B, s0  }
0xbf: {  	[sflag:s0] =	ssyncadd.remote.s32 $0x1  }
0xc0: {  	_ =	sfence.sel $0xFFFF  }
0xc1: {  	[dreg:$0x0] =	wrdreg $0xFFFFFFFF;
	(pc) =	sbr.abs _section_cstart, $3  }
0xc2: {  	[dreg:$0x1] =	wrdreg $0xFFFFFFFF  }
0xc3: {  	_ =	task.clear_ibuf [dreg:s8], $0x2FFFF;
	_ =	strace $0x9FFFFFFF  }
0xc4: {  	(tm) =	ssettm $0x7FFFFFFF  }
0xc5: {  	_ =	shalt  }
tec
execute0_lowered:
.L_overlay_start_1:
0x0: {  	(tag) =	ssettag $0x1  }
0x1: {  	s0 =	rddreg [dreg:$0x0]  }
0x2: {  	s3 =	rddreg [dreg:$0x1];
	s1 =	srdreg.scid  }
0x3: {  	s4 =	stileid.u32;
	s5 =	rddreg [dreg:$0x2]  }
0x4: {  	s11 =	simm.s32 $0x4;
	s13 =	simm.s32 $0x80;
	s30 =	simm.s32 $0x4E20  }
0x5: {  	s31 =	simm.s32 $0x6E20;
	s16 =	simm.s32 $0xCE20;
	s17 =	simm.s32 $0xEE20  }
0x6: {  	s18 =	simm.s32 $0x1;
	s6 =	sand.u32 $0x1, s1;
	s2 =	sshll.u32 s4, $0x1  }
0x7: {  	s19 =	simm.s32 $0x2;
	s23 =	simm.s32 $0x0;
	s7 =	sor.u32 s6, s2  }
0x8: {  	s1 =	simm.s32 $0x0;
	p0 =	sne.s32 s4, $0x0;
	s8 =	smul.u32 $0x9C00, s7  }
0x9: {  	[smem:$0x7FF] =	sst s1;
	s6 =	ssub.s32 $0x2, s6;
	s9 =	smul.u32 $0x1400, s7  }
0xa: {  	s2 =	sadd.s32 $0x13C00, s3;
	s10 =	sshrl.u32 s6, $0x1;
	s7 =	smul.u32 $0x4E2, s7  }
0xb: {  	_ =	strace $0x80000047;
	s10 =	ssub.s32 s6, s10;
	s8 =	sshrl.u32 s8, $0x3  }
0xc: {  	s6 =	sadd.s32 s3, s7;
	s7 =	sadd.s32 s0, s9;
	s8 =	sadd.s32 $0x100, s8  }
0xd: {  	s28 =	sadd.s32 s5, s8;
	s29 =	sadd.s32 s0, s8;
	s5 =	sadd.s32 s5, s9  }
0xe: {  	s8 =	sadd.s32 $0x9E00, s6;
	s0 =	sshll.u32 @p0 s4, $0x6;
	[dreg:$0x4] =	wrdreg s28  }
0xf: {  	s9 =	smax.u32 s10, $0x1;
	[dreg:$0x5] =	wrdreg s29;
	s10 =	sor.u32 @p0 $0x1C03, s0  }
.LBB2_1:
0x10: {  	s0 =	rddreg [dreg:$0x4]  }
0x11: {  	s3 =	rddreg [dreg:$0x5]  }
0x12: {  	[hbm:s0], [sflag:s10] =	dma.local @p0 [hbm:s3], $0x1380  }
0x13: {  	s0 =	simm.s32 @!p0 $0x1C03  }
0x14: {  	[hbm:s5], [sflag:s0] =	dma.local @!p0 [hbm:s7], $0x1400  }
0x15: {  	[tilespmem:s1], [sflag:$0x4] =	stream.linear.gather [hbm4b:s8+s1], $0x2710, $0x38;
	[tilespmem:$0x14E20] =	vst v63  }
0x16: {  	_ =	swait.ge [sflag:s11], $0x2710  }
0x17: {  	[sflag:s11] =	ssyncset.done $0x0  }
0x18: {  	s29 =	simm.s32 $0x2710;
	[sflag:s11] =	ssyncadd.s32 $0xFFFFD8F0  }
0x19: {  	[tilespmem:s29], [sflag:$0x4] =	stream.linear.gather [hbm4b:s6+s1], $0x2710, $0x38;
	[tilespmem:$0x14E20] =	vst v63  }
0x1a: {  	_ =	swait.ge [sflag:s11], $0x2710  }
0x1b: {  	[sflag:s11] =	ssyncset.done $0x0  }
0x1c: {  	[sflag:s11] =	ssyncadd.s32 $0xFFFFD8F0  }
0x1d: {  	[tilespmem:s30], [sflag:$0x1] =	stream.indirect.gather [hbm4b:s2+s13], $0x40, s1, s13, $0xb8;
	[tilespmem:$0x14E20] =	vst v63  }
0x1e: {  	s24 =	simm.s32 $0x0  }
0x1f: {  	[tilespmem:s31], [sflag:$0x1] =	stream.indirect.gather [hbm4b:s2+s13], $0x40, s29, s13, $0xb8;
	[tilespmem:$0x14E20] =	vst v63  }
.LBB2_2:
0x20: {  	s25 =	sshll.u32 s24, $0x8  }
0x21: {  	s0 =	sor.u32 $0x80, s25  }
0x22: {  	[tilespmem:s16], [sflag:$0x2] =	stream.indirect.gather [hbm4b:s2+s13], $0x40, s0, s13, $0xb8;
	[tilespmem:$0x14E20] =	vst v63  }
0x23: {  	s26 =	sadd.s32 $0x2790, s25  }
0x24: {  	[tilespmem:s17], [sflag:$0x2] =	stream.indirect.gather [hbm4b:s2+s13], $0x40, s26, s13, $0xb8;
	[tilespmem:$0x14E20] =	vst v63  }
0x25: {  	_ =	swait.ge [sflag:s18], $0x2000  }
0x26: {  	[sflag:s18] =	ssyncset.done $0x0  }
0x27: {  	[sflag:s18] =	ssyncadd.s32 $0xFFFFE000  }
0x28: {  	_ =	swait.ge [sflag:s18], $0x2000  }
0x29: {  	[sflag:s18] =	ssyncset.done $0x0  }
0x2a: {  	s3 =	simm.s32 $0x4E60;
	[sflag:s18] =	ssyncadd.s32 $0xFFFFE000  }
0x2b: {  	s12 =	simm.s32 $0x6E60;
	v0 =	vld [tilespmem:s3+$0x0]  }
0x2c: {  	v1 =	vld [tilespmem:s12+$0x0];
	_ =	sdelay $0x4  }
0x2d: {  	v2 =	vshll.u32 v0, $0x10;
	v3 =	vshll.u32 v1, $0x10  }
0x2e: {  	v0 =	vand.u32 $0xFFFF0000, v0;
	v1 =	vand.u32 $0xFFFF0000, v1;
	v2 =	vadd.f32 v3, v2  }
0x2f: {  	s28 =	simm.s32 $0x8EA0;
	v0 =	vadd.f32 v1, v0  }
0x30: {  	[tilespmem:s28+$0x0] =	vst v2  }
0x31: {  	[tilespmem:s28+$0x10] =	vst v0  }
0x32: {  	v0 =	vld [tilespmem:s3+$0x10]  }
0x33: {  	v1 =	vld [tilespmem:s12+$0x10];
	_ =	sdelay $0x1  }
0x34: {  	s15 =	simm.s32 $0x6EE0  }
0x35: {  	s20 =	simm.s32 $0x4EE0;
	v3 =	vld [tilespmem:s15+$0x0]  }
0x36: {  	v2 =	vld [tilespmem:s20+$0x0]  }
0x37: {  	v4 =	vld [tilespmem:s12+$0xFFFFFFC0];
	v5 =	vshll.u32 v0, $0x10;
	v6 =	vshll.u32 v1, $0x10  }
0x38: {  	v7 =	vld [tilespmem:s3+$0xFFFFFFC0];
	v0 =	vand.u32 $0xFFFF0000, v0;
	v1 =	vand.u32 $0xFFFF0000, v1;
	v5 =	vadd.f32 v6, v5  }
0x39: {  	v6 =	vld [tilespmem:s15+$0xFFFFFFC0];
	v0 =	vadd.f32 v1, v0  }
0x3a: {  	v1 =	vld [tilespmem:s20+$0xFFFFFFC0];
	[tilespmem:s28+$0x20] =	vst v5  }
0x3b: {  	v8 =	vshll.u32 v3, $0x10;
	v5 =	vshll.u32 v2, $0x10;
	[tilespmem:s28+$0x30] =	vst v0  }
0x3c: {  	v3 =	vand.u32 $0xFFFF0000, v3;
	v2 =	vand.u32 $0xFFFF0000, v2;
	v0 =	vadd.f32 v8, v5;
	v5 =	vld [tilespmem:s3+$0x20]  }
0x3d: {  	s26 =	simm.s32 $0x8FA0;
	v9 =	vshll.u32 v7, $0x10;
	v8 =	vshll.u32 v4, $0x10;
	v2 =	vadd.f32 v3, v2;
	v3 =	vld [tilespmem:s12+$0x20]  }
0x3e: {  	v7 =	vand.u32 $0xFFFF0000, v7;
	v4 =	vand.u32 $0xFFFF0000, v4;
	v8 =	vadd.f32 v8, v9;
	[tilespmem:s26+$0x0] =	vst v0  }
0x3f: {  	v0 =	vadd.f32 v4, v7;
	v4 =	vshll.u32 v6, $0x10;
	v7 =	vshll.u32 v1, $0x10;
	[tilespmem:s26+$0x10] =	vst v2  }
0x40: {  	v2 =	vand.u32 $0xFFFF0000, v6;
	v1 =	vand.u32 $0xFFFF0000, v1;
	[tilespmem:s28+$0xFFFFFF80] =	vst v8;
	v4 =	vadd.f32 v4, v7;
	v6 =	vld [tilespmem:s20+$0x10]  }
0x41: {  	s31 =	simm.s32 $0x4F60;
	[tilespmem:s28+$0xFFFFFF90] =	vst v0;
	v0 =	vadd.f32 v2, v1;
	v1 =	vld [tilespmem:s15+$0x10]  }
0x42: {  	v11 =	vld [tilespmem:s31+$0xFFFFFFC0];
	[tilespmem:s26+$0xFFFFFF80] =	vst v4;
	v4 =	vshll.u32 v5, $0x10;
	v7 =	vshll.u32 v3, $0x10  }
0x43: {  	v2 =	vld [tilespmem:s3+$0xFFFFFFD0];
	v3 =	vand.u32 $0xFFFF0000, v3;
	[tilespmem:s26+$0xFFFFFF90] =	vst v0;
	v0 =	vadd.f32 v7, v4;
	v4 =	vand.u32 $0xFFFF0000, v5  }
0x44: {  	v8 =	vld [tilespmem:s12+$0xFFFFFFD0];
	v3 =	vadd.f32 v3, v4  }
0x45: {  	s30 =	simm.s32 $0x6F60;
	v4 =	vld [tilespmem:s31+$0x0];
	[tilespmem:s28+$0x40] =	vst v0  }
0x46: {  	v0 =	vld [tilespmem:s30+$0x0];
	[tilespmem:s28+$0x50] =	vst v3;
	v3 =	vshll.u32 v6, $0x10;
	v7 =	vshll.u32 v1, $0x10  }
0x47: {  	v5 =	vld [tilespmem:s20+$0xFFFFFFD0];
	v6 =	vand.u32 $0xFFFF0000, v6;
	v1 =	vand.u32 $0xFFFF0000, v1;
	v3 =	vadd.f32 v7, v3  }
0x48: {  	v9 =	vld [tilespmem:s3+$0x30];
	v1 =	vadd.f32 v1, v6  }
0x49: {  	v7 =	vld [tilespmem:s30+$0xFFFFFFC0];
	v6 =	vshll.u32 v2, $0x10;
	v10 =	vshll.u32 v8, $0x10;
	[tilespmem:s26+$0x20] =	vst v3  }
0x4a: {  	v2 =	vand.u32 $0xFFFF0000, v2;
	v3 =	vadd.f32 v10, v6;
	v6 =	vand.u32 $0xFFFF0000, v8;
	v8 =	vld [tilespmem:s12+$0x30];
	[tilespmem:s26+$0x30] =	vst v1  }
0x4b: {  	v1 =	vadd.f32 v6, v2;
	v2 =	vshll.u32 v4, $0x10;
	v6 =	vshll.u32 v0, $0x10;
	v10 =	vld [tilespmem:s20+$0x20]  }
0x4c: {  	v0 =	vand.u32 $0xFFFF0000, v0;
	[tilespmem:s28+$0xFFFFFFA0] =	vst v3;
	v2 =	vadd.f32 v6, v2;
	v3 =	vand.u32 $0xFFFF0000, v4;
	v4 =	vld [tilespmem:s15+$0x20]  }
0x4d: {  	s29 =	simm.s32 $0x90A0;
	v12 =	vshll.u32 v11, $0x10;
	[tilespmem:s28+$0xFFFFFFB0] =	vst v1;
	v1 =	vld [tilespmem:s15+$0xFFFFFFD0];
	v0 =	vadd.f32 v0, v3  }
0x4e: {  	v11 =	vand.u32 $0xFFFF0000, v11;
	v3 =	vshll.u32 v5, $0x10;
	v6 =	vshll.u32 v7, $0x10;
	[tilespmem:s29+$0x0] =	vst v2;
	v2 =	vld [tilespmem:s3+$0xFFFFFFE0]  }
0x4f: {  	v7 =	vand.u32 $0xFFFF0000, v7;
	v5 =	vand.u32 $0xFFFF0000, v5;
	v6 =	vadd.f32 v6, v12;
	[tilespmem:s29+$0x10] =	vst v0;
	v0 =	vld [tilespmem:s12+$0xFFFFFFE0]  }
0x50: {  	v12 =	vand.u32 $0xFFFF0000, v9;
	v7 =	vadd.f32 v7, v11;
	v13 =	vand.u32 $0xFFFF0000, v8;
	v11 =	vld [tilespmem:s31+$0x10]  }
0x51: {  	[tilespmem:s29+$0xFFFFFF80] =	vst v6;
	v6 =	vld [tilespmem:s30+$0x10];
	v14 =	vshll.u32 v10, $0x10;
	v10 =	vand.u32 $0xFFFF0000, v10;
	v15 =	vshll.u32 v4, $0x10  }
0x52: {  	[tilespmem:s29+$0xFFFFFF90] =	vst v7;
	v12 =	vadd.f32 v13, v12;
	v4 =	vand.u32 $0xFFFF0000, v4;
	v7 =	vadd.f32 v15, v14  }
0x53: {  	s0 =	simm.s32 $0x4FE0;
	v13 =	vshll.u32 v1, $0x10;
	v14 =	vld [tilespmem:s31+$0xFFFFFFD0];
	v4 =	vadd.f32 v4, v10;
	v1 =	vand.u32 $0xFFFF0000, v1  }
0x54: {  	s21 =	simm.s32 $0x6FE0;
	v9 =	vshll.u32 v9, $0x10;
	v10 =	vld [tilespmem:s0+$0x0];
	v3 =	vadd.f32 v13, v3;
	v1 =	vadd.f32 v1, v5;
	[tilespmem:s26+$0x40] =	vst v7  }
0x55: {  	v5 =	vshll.u32 v2, $0x10;
	v2 =	vand.u32 $0xFFFF0000, v2;
	v7 =	vshll.u32 v8, $0x10;
	v8 =	vld [tilespmem:s21+$0x0];
	[tilespmem:s26+$0x50] =	vst v4  }
0x56: {  	[tilespmem:s28+$0x70] =	vst v12;
	v4 =	vshll.u32 v0, $0x10;
	v13 =	vshll.u32 v11, $0x10;
	v15 =	vshll.u32 v6, $0x10;
	v16 =	vld [tilespmem:s20+$0x30]  }
0x57: {  	v11 =	vand.u32 $0xFFFF0000, v11;
	v6 =	vand.u32 $0xFFFF0000, v6;
	[tilespmem:s26+$0xFFFFFFA0] =	vst v3;
	v3 =	vld [tilespmem:s21+$0xFFFFFFC0];
	v12 =	vadd.f32 v15, v13  }
0x58: {  	v0 =	vand.u32 $0xFFFF0000, v0;
	v4 =	vadd.f32 v4, v5;
	[tilespmem:s26+$0xFFFFFFB0] =	vst v1;
	v13 =	vld [tilespmem:s15+$0x30];
	v6 =	vadd.f32 v6, v11  }
0x59: {  	v0 =	vadd.f32 v0, v2;
	v5 =	vld [tilespmem:s0+$0xFFFFFFC0];
	v7 =	vadd.f32 v7, v9;
	[tilespmem:s29+$0x20] =	vst v12  }
0x5a: {  	v2 =	vshll.u32 v14, $0x10;
	v11 =	vand.u32 $0xFFFF0000, v14;
	v9 =	vshll.u32 v10, $0x10;
	v12 =	vld [tilespmem:s30+$0xFFFFFFD0];
	[tilespmem:s29+$0x30] =	vst v6  }
0x5b: {  	[tilespmem:s28+$0xFFFFFFC0] =	vst v4;
	v6 =	vand.u32 $0xFFFF0000, v10;
	v1 =	vshll.u32 v8, $0x10;
	v8 =	vand.u32 $0xFFFF0000, v8;
	v10 =	vld [tilespmem:s31+$0x20]  }
0x5c: {  	[tilespmem:s28+$0xFFFFFFD0] =	vst v0;
	v1 =	vadd.f32 v1, v9;
	v4 =	vadd.f32 v8, v6;
	v6 =	vld [tilespmem:s30+$0x20];
	v8 =	vand.u32 $0xFFFF0000, v16  }
0x5d: {  	s22 =	simm.s32 $0x91A0;
	v14 =	vld [tilespmem:s20+$0xFFFFFFE0];
	[tilespmem:s28+$0x60] =	vst v7;
	v9 =	vshll.u32 v3, $0x10;
	v3 =	vand.u32 $0xFFFF0000, v3;
	v0 =	vand.u32 $0xFFFF0000, v13  }
0x5e: {  	v15 =	vld [tilespmem:s3+$0xFFFFFFF0];
	[tilespmem:s22+$0x0] =	vst v1;
	v0 =	vadd.f32 v0, v8;
	v1 =	vshll.u32 v5, $0x10;
	v5 =	vand.u32 $0xFFFF0000, v5  }
0x5f: {  	v8 =	vld [tilespmem:s15+$0xFFFFFFE0];
	[tilespmem:s22+$0x10] =	vst v4;
	v4 =	vshll.u32 v16, $0x10;
	v1 =	vadd.f32 v9, v1;
	v9 =	vshll.u32 v12, $0x10  }
0x60: {  	v3 =	vadd.f32 v3, v5;
	v5 =	vld [tilespmem:s0+$0x10];
	[tilespmem:s26+$0x70] =	vst v0;
	v0 =	vadd.f32 v9, v2;
	v2 =	vand.u32 $0xFFFF0000, v12  }
0x61: {  	v9 =	vshll.u32 v13, $0x10;
	v12 =	vshll.u32 v10, $0x10;
	[tilespmem:s22+$0xFFFFFF80] =	vst v1;
	v1 =	vld [tilespmem:s21+$0x10];
	v13 =	vshll.u32 v6, $0x10  }
0x62: {  	v10 =	vand.u32 $0xFFFF0000, v10;
	[tilespmem:s22+$0xFFFFFF90] =	vst v3;
	v6 =	vand.u32 $0xFFFF0000, v6;
	v3 =	vadd.f32 v13, v12;
	v12 =	vld [tilespmem:s12+$0xFFFFFFF0]  }
0x63: {  	v2 =	vadd.f32 v2, v11;
	v7 =	vld [tilespmem:s0+$0xFFFFFFD0];
	s12 =	simm.s32 $0x5060;
	v6 =	vadd.f32 v6, v10;
	v10 =	vshll.u32 v14, $0x10;
	[tilespmem:s29+$0xFFFFFFA0] =	vst v0  }
0x64: {  	s3 =	simm.s32 $0x7060;
	v0 =	vand.u32 $0xFFFF0000, v15;
	v11 =	vshll.u32 v8, $0x10;
	v13 =	vld [tilespmem:s12+$0x0];
	v8 =	vand.u32 $0xFFFF0000, v8;
	[tilespmem:s29+$0x40] =	vst v3  }
0x65: {  	v3 =	vand.u32 $0xFFFF0000, v14;
	v10 =	vadd.f32 v11, v10;
	v11 =	vld [tilespmem:s3+$0x0];
	[tilespmem:s29+$0x50] =	vst v6;
	v6 =	vshll.u32 v15, $0x10  }
0x66: {  	v3 =	vadd.f32 v8, v3;
	v8 =	vshll.u32 v5, $0x10;
	v15 =	vld [tilespmem:s31+$0x30];
	v14 =	vshll.u32 v1, $0x10  }
0x67: {  	[tilespmem:s29+$0xFFFFFFB0] =	vst v2;
	v5 =	vand.u32 $0xFFFF0000, v5;
	v1 =	vand.u32 $0xFFFF0000, v1;
	v2 =	vadd.f32 v14, v8;
	v14 =	vld [tilespmem:s30+$0x30]  }
0x68: {  	v9 =	vadd.f32 v9, v4;
	[tilespmem:s26+$0xFFFFFFC0] =	vst v10;
	v8 =	vld [tilespmem:s3+$0xFFFFFFC0];
	v10 =	vshll.u32 v7, $0x10;
	v5 =	vadd.f32 v1, v5  }
0x69: {  	v16 =	vand.u32 $0xFFFF0000, v7;
	v7 =	vld [tilespmem:s12+$0xFFFFFFC0];
	v1 =	vand.u32 $0xFFFF0000, v12;
	[tilespmem:s22+$0x20] =	vst v2;
	v2 =	vshll.u32 v12, $0x10  }
0x6a: {  	v4 =	vshll.u32 v13, $0x10;
	v12 =	vshll.u32 v11, $0x10;
	[tilespmem:s22+$0x30] =	vst v5;
	v5 =	vld [tilespmem:s21+$0xFFFFFFD0];
	v2 =	vadd.f32 v2, v6  }
0x6b: {  	[tilespmem:s26+$0xFFFFFFD0] =	vst v3;
	v3 =	vadd.f32 v12, v4;
	v4 =	vand.u32 $0xFFFF0000, v13;
	v6 =	vand.u32 $0xFFFF0000, v11;
	v11 =	vld [tilespmem:s0+$0x20]  }
0x6c: {  	[tilespmem:s26+$0x60] =	vst v9;
	v13 =	vld [tilespmem:s21+$0x20];
	v12 =	vand.u32 $0xFFFF0000, v15;
	v4 =	vadd.f32 v6, v4;
	v17 =	vand.u32 $0xFFFF0000, v14  }
0x6d: {  	s14 =	simm.s32 $0x92A0;
	v6 =	vld [tilespmem:s31+$0xFFFFFFE0];
	[tilespmem:s28+$0xFFFFFFE0] =	vst v2;
	v18 =	vshll.u32 v8, $0x10;
	v8 =	vand.u32 $0xFFFF0000, v8;
	v2 =	vshll.u32 v15, $0x10  }
0x6e: {  	[tilespmem:s14+$0x0] =	vst v3;
	v3 =	vadd.f32 v17, v12;
	v12 =	vshll.u32 v7, $0x10;
	v17 =	vand.u32 $0xFFFF0000, v7;
	v7 =	vld [tilespmem:s30+$0xFFFFFFE0]  }
0x6f: {  	[tilespmem:s14+$0x10] =	vst v4;
	v4 =	vld [tilespmem:s20+$0xFFFFFFF0];
	v12 =	vadd.f32 v18, v12;
	v15 =	vadd.f32 v8, v17;
	v17 =	vshll.u32 v5, $0x10  }
0x70: {  	v8 =	vld [tilespmem:s12+$0x10];
	v5 =	vand.u32 $0xFFFF0000, v5;
	[tilespmem:s29+$0x70] =	vst v3;
	v17 =	vadd.f32 v17, v10;
	v3 =	vshll.u32 v14, $0x10  }
0x71: {  	v10 =	vld [tilespmem:s3+$0x10];
	v9 =	vadd.f32 v5, v16;
	v5 =	vshll.u32 v11, $0x10;
	[tilespmem:s14+$0xFFFFFF80] =	vst v12;
	v12 =	vshll.u32 v13, $0x10  }
0x72: {  	v14 =	vand.u32 $0xFFFF0000, v11;
	[tilespmem:s14+$0xFFFFFF90] =	vst v15;
	v13 =	vand.u32 $0xFFFF0000, v13;
	v12 =	vadd.f32 v12, v5;
	v5 =	vld [tilespmem:s15+$0xFFFFFFF0]  }
0x73: {  	s4 =	simm.s32 $0x50E0;
	s20 =	simm.s32 $0x8;
	v11 =	vld [tilespmem:s12+$0xFFFFFFD0];
	[tilespmem:s22+$0xFFFFFFA0] =	vst v17;
	v15 =	vadd.f32 v13, v14;
	v13 =	vshll.u32 v6, $0x10;
	s15 =	simm.s32 $0x7060;
	v14 =	vshll.u32 v7, $0x10  }
.LBB2_3:
0x74: {  	v16 =	vld [tilespmem:s4+$0x0];
	s3 =	sadd.s32 $0x80, s3;
	[tilespmem:s22+$0x40] =	vst v12;
	v12 =	vadd.f32 v14, v13;
	v6 =	vand.u32 $0xFFFF0000, v6;
	v7 =	vand.u32 $0xFFFF0000, v7  }
0x75: {  	v13 =	vld [tilespmem:s3+$0x0];
	[tilespmem:s22+$0x50] =	vst v15;
	v6 =	vadd.f32 v7, v6;
	v7 =	vshll.u32 v4, $0x10;
	v4 =	vand.u32 $0xFFFF0000, v4  }
0x76: {  	v17 =	vadd.f32 v1, v0;
	v14 =	vshll.u32 v8, $0x10;
	v15 =	vshll.u32 v10, $0x10;
	[tilespmem:s22+$0xFFFFFFB0] =	vst v9;
	v9 =	vld [tilespmem:s0+$0x30];
	v0 =	vmovc v4  }
0x77: {  	v4 =	vand.u32 $0xFFFF0000, v8;
	v8 =	vand.u32 $0xFFFF0000, v10;
	v1 =	vadd.f32 v15, v14;
	v10 =	vld [tilespmem:s21+$0x30];
	[tilespmem:s29+$0xFFFFFFC0] =	vst v12  }
0x78: {  	v4 =	vadd.f32 v8, v4;
	v12 =	vld [tilespmem:s3+$0xFFFFFFC0];
	v14 =	vshll.u32 v11, $0x10;
	v11 =	vand.u32 $0xFFFF0000, v11;
	[tilespmem:s29+$0xFFFFFFD0] =	vst v6  }
0x79: {  	v15 =	vadd.f32 v3, v2;
	v2 =	vshll.u32 v5, $0x10;
	v8 =	vld [tilespmem:s4+$0xFFFFFFC0];
	[tilespmem:s14+$0x20] =	vst v1;
	v1 =	vand.u32 $0xFFFF0000, v5  }
0x7a: {  	v2 =	vadd.f32 v2, v7;
	v3 =	vshll.u32 v16, $0x10;
	v5 =	vshll.u32 v13, $0x10;
	v18 =	vld [tilespmem:s15+$0xFFFFFFD0];
	[tilespmem:s14+$0x30] =	vst v4  }
0x7b: {  	v4 =	vand.u32 $0xFFFF0000, v16;
	v3 =	vadd.f32 v5, v3;
	v5 =	vand.u32 $0xFFFF0000, v13;
	v13 =	vld [tilespmem:s12+$0x20];
	[tilespmem:s28+$0xFFFFFFF0] =	vst v17;
	s28 =	smov.u32 s26;
	s26 =	smov.u32 s29;
	s29 =	smov.u32 s22  }
0x7c: {  	s20 =	sadd.s32 $0x2, s20;
	v7 =	vand.u32 $0xFFFF0000, v9;
	s22 =	smov.u32 s14;
	s14 =	sadd.s32 $0x100, s14;
	v4 =	vadd.f32 v5, v4;
	v5 =	vld [tilespmem:s15+$0x20];
	v16 =	vand.u32 $0xFFFF0000, v10;
	[tilespmem:s28+$0xFFFFFFE0] =	vst v2  }
0x7d: {  	p1 =	slt.u32 s20, $0x7E;
	v17 =	vshll.u32 v12, $0x10;
	v12 =	vand.u32 $0xFFFF0000, v12;
	[tilespmem:s14+$0x0] =	vst v3;
	v6 =	vld [tilespmem:s0+$0xFFFFFFE0];
	v3 =	vadd.f32 v16, v7  }
0x7e: {  	v2 =	vshll.u32 v9, $0x10;
	v16 =	vshll.u32 v8, $0x10;
	v8 =	vand.u32 $0xFFFF0000, v8;
	[tilespmem:s14+$0x10] =	vst v4;
	v7 =	vld [tilespmem:s21+$0xFFFFFFE0]  }
.Ltmp0:
0x7f: {  	v9 =	vadd.f32 v17, v16;
	v12 =	vadd.f32 v12, v8;
	v16 =	vshll.u32 v18, $0x10;
	[tilespmem:s29+$0x70] =	vst v3;
	v4 =	vld [tilespmem:s31+$0xFFFFFFF0];
	s31 =	smov.u32 s0;
	s0 =	smov.u32 s12;
	(pc) =	sbr.rel @p1 .LBB2_3-.Ltmp0, $4  }
0x80: {  	v3 =	vshll.u32 v10, $0x10;
	s12 =	smov.u32 s4;
	v8 =	vld [tilespmem:s4+$0x10];
	v14 =	vadd.f32 v16, v14;
	v16 =	vand.u32 $0xFFFF0000, v18;
	[tilespmem:s26+$0x60] =	vst v15  }
0x81: {  	[tilespmem:s14+$0xFFFFFF80] =	vst v9;
	v10 =	vld [tilespmem:s3+$0x10];
	v9 =	vadd.f32 v16, v11;
	v11 =	vshll.u32 v13, $0x10;
	v15 =	vshll.u32 v5, $0x10  }
0x82: {  	v13 =	vand.u32 $0xFFFF0000, v13;
	[tilespmem:s14+$0xFFFFFF90] =	vst v12;
	v12 =	vadd.f32 v15, v11;
	v15 =	vand.u32 $0xFFFF0000, v5;
	v5 =	vld [tilespmem:s30+$0xFFFFFFF0];
	s30 =	smov.u32 s21;
	s21 =	smov.u32 s15;
	s15 =	smov.u32 s3  }
0x83: {  	s4 =	sadd.s32 $0x80, s4;
	v11 =	vld [tilespmem:s12+$0xFFFFFFD0];
	[tilespmem:s22+$0xFFFFFFA0] =	vst v14;
	v15 =	vadd.f32 v15, v13;
	v13 =	vshll.u32 v6, $0x10;
	v14 =	vshll.u32 v7, $0x10  }
0x84: {  	_ =	sdelay $0x1  }
0x85: {  	v16 =	vshll.u32 v8, $0x10;
	v17 =	vshll.u32 v10, $0x10  }
0x86: {  	v8 =	vand.u32 $0xFFFF0000, v8;
	v10 =	vand.u32 $0xFFFF0000, v10;
	v16 =	vadd.f32 v17, v16;
	v17 =	vld [tilespmem:s15+$0xFFFFFFD0]  }
0x87: {  	[tilespmem:s22+$0x40] =	vst v12;
	v8 =	vadd.f32 v10, v8  }
0x88: {  	[tilespmem:s14+$0x20] =	vst v16  }
0x89: {  	[tilespmem:s14+$0x30] =	vst v8  }
0x8a: {  	[tilespmem:s22+$0xFFFFFFB0] =	vst v9;
	v8 =	vld [tilespmem:s12+$0x20]  }
0x8b: {  	v13 =	vadd.f32 v14, v13;
	[tilespmem:s22+$0x50] =	vst v15;
	v10 =	vshll.u32 v11, $0x10;
	v12 =	vld [tilespmem:s15+$0x20];
	v15 =	vshll.u32 v17, $0x10  }
0x8c: {  	v14 =	vld [tilespmem:s21+$0xFFFFFFE0];
	v11 =	vand.u32 $0xFFFF0000, v11;
	v10 =	vadd.f32 v15, v10;
	v15 =	vand.u32 $0xFFFF0000, v17  }
0x8d: {  	v9 =	vld [tilespmem:s0+$0x30];
	v11 =	vadd.f32 v15, v11  }
0x8e: {  	v6 =	vand.u32 $0xFFFF0000, v6;
	v7 =	vand.u32 $0xFFFF0000, v7;
	v16 =	vld [tilespmem:s0+$0xFFFFFFE0];
	[tilespmem:s14+$0xFFFFFFA0] =	vst v10  }
0x8f: {  	v6 =	vadd.f32 v7, v6;
	v7 =	vld [tilespmem:s21+$0x30];
	[tilespmem:s14+$0xFFFFFFB0] =	vst v11  }
0x90: {  	v0 =	vadd.f32 v1, v0;
	[tilespmem:s29+$0xFFFFFFC0] =	vst v13;
	v1 =	vshll.u32 v8, $0x10;
	v10 =	vshll.u32 v12, $0x10;
	v11 =	vld [tilespmem:s12+$0xFFFFFFE0]  }
0x91: {  	[tilespmem:s29+$0xFFFFFFD0] =	vst v6;
	v6 =	vand.u32 $0xFFFF0000, v8;
	v8 =	vand.u32 $0xFFFF0000, v12;
	v1 =	vadd.f32 v10, v1;
	v10 =	vld [tilespmem:s15+$0xFFFFFFE0]  }
0x92: {  	[tilespmem:s28+$0xFFFFFFF0] =	vst v0;
	v13 =	vshll.u32 v5, $0x10;
	v12 =	vshll.u32 v4, $0x10;
	v0 =	vadd.f32 v8, v6  }
0x93: {  	v6 =	vadd.f32 v13, v12;
	v8 =	vld [tilespmem:s31+$0xFFFFFFF0];
	v12 =	vshll.u32 v16, $0x10;
	v13 =	vshll.u32 v14, $0x10;
	[tilespmem:s14+$0x40] =	vst v1  }
0x94: {  	v14 =	vand.u32 $0xFFFF0000, v14;
	v12 =	vadd.f32 v13, v12;
	v13 =	vand.u32 $0xFFFF0000, v16;
	v1 =	vld [tilespmem:s30+$0xFFFFFFF0];
	[tilespmem:s14+$0x50] =	vst v0  }
0x95: {  	v15 =	vand.u32 $0xFFFF0000, v7;
	v0 =	vand.u32 $0xFFFF0000, v9;
	[tilespmem:s26+$0xFFFFFFE0] =	vst v6;
	v6 =	vadd.f32 v14, v13;
	v13 =	vld [tilespmem:s12+$0x30]  }
0x96: {  	v0 =	vadd.f32 v15, v0;
	v14 =	vld [tilespmem:s15+$0x30];
	[tilespmem:s22+$0xFFFFFFC0] =	vst v12;
	v12 =	vshll.u32 v11, $0x10;
	v15 =	vshll.u32 v10, $0x10  }
0x97: {  	[tilespmem:s22+$0xFFFFFFD0] =	vst v6;
	v11 =	vand.u32 $0xFFFF0000, v11;
	v10 =	vand.u32 $0xFFFF0000, v10;
	v6 =	vadd.f32 v15, v12  }
0x98: {  	[tilespmem:s22+$0x70] =	vst v0;
	v0 =	vld [tilespmem:s0+$0xFFFFFFF0];
	v10 =	vadd.f32 v10, v11  }
0x99: {  	v2 =	vadd.f32 v3, v2;
	v3 =	vand.u32 $0xFFFF0000, v5;
	v4 =	vand.u32 $0xFFFF0000, v4;
	v5 =	vld [tilespmem:s21+$0xFFFFFFF0];
	[tilespmem:s14+$0xFFFFFFC0] =	vst v6  }
0x9a: {  	v3 =	vadd.f32 v3, v4;
	v4 =	vshll.u32 v1, $0x10;
	v6 =	vshll.u32 v8, $0x10;
	[tilespmem:s14+$0xFFFFFFD0] =	vst v10  }
0x9b: {  	[tilespmem:s29+$0x60] =	vst v2;
	v2 =	vadd.f32 v4, v6;
	v4 =	vand.u32 $0xFFFF0000, v13;
	v6 =	vand.u32 $0xFFFF0000, v14;
	v10 =	vld [tilespmem:s12+$0xFFFFFFF0]  }
0x9c: {  	v7 =	vshll.u32 v7, $0x10;
	v9 =	vshll.u32 v9, $0x10;
	[tilespmem:s26+$0xFFFFFFF0] =	vst v3;
	v3 =	vadd.f32 v6, v4;
	v4 =	vld [tilespmem:s15+$0xFFFFFFF0]  }
0x9d: {  	v7 =	vadd.f32 v7, v9;
	v1 =	vand.u32 $0xFFFF0000, v1;
	v6 =	vand.u32 $0xFFFF0000, v8;
	[tilespmem:s29+$0xFFFFFFE0] =	vst v2  }
0x9e: {  	v2 =	vshll.u32 v0, $0x10;
	v1 =	vadd.f32 v1, v6;
	[tilespmem:s14+$0x70] =	vst v3;
	v3 =	vshll.u32 v5, $0x10  }
0x9f: {  	[tilespmem:s22+$0x60] =	vst v7;
	v8 =	vshll.u32 v14, $0x10;
	v6 =	vshll.u32 v13, $0x10;
	v2 =	vadd.f32 v3, v2  }
0xa0: {  	v0 =	vand.u32 $0xFFFF0000, v0;
	v5 =	vand.u32 $0xFFFF0000, v5;
	v3 =	vadd.f32 v8, v6;
	[tilespmem:s29+$0xFFFFFFF0] =	vst v1  }
0xa1: {  	v0 =	vadd.f32 v5, v0;
	v1 =	vshll.u32 v10, $0x10;
	[tilespmem:s22+$0xFFFFFFE0] =	vst v2;
	v2 =	vshll.u32 v4, $0x10  }
0xa2: {  	[tilespmem:s14+$0x60] =	vst v3;
	v3 =	vand.u32 $0xFFFF0000, v10;
	v4 =	vand.u32 $0xFFFF0000, v4;
	v1 =	vadd.f32 v2, v1  }
0xa3: {  	[tilespmem:s22+$0xFFFFFFF0] =	vst v0;
	v0 =	vadd.f32 v4, v3  }
0xa4: {  	p1 =	seq.s32 s24, $0x26;
	[tilespmem:s14+$0xFFFFFFE0] =	vst v1  }
0xa5: {  	s3 =	simm.s32 @!p1 $0x80;
	s4 =	simm.s32 @!p1 $0x4E20;
	s0 =	sadd.s32 @!p1 $0x100, s25;
	[tilespmem:s14+$0xFFFFFFF0] =	vst v0  }
0xa6: {  	[tilespmem:s4], [sflag:$0x1] =	stream.indirect.gather @!p1 [hbm4b:s2+s3], $0x40, s0, s3, $0xb8;
	[tilespmem:$0x14E20] =	vst v63  }
0xa7: {  	s0 =	sadd.s32 @!p1 $0x2810, s25;
	s4 =	simm.s32 @!p1 $0x6E20  }
0xa8: {  	[tilespmem:s4], [sflag:$0x1] =	stream.indirect.gather @!p1 [hbm4b:s2+s3], $0x40, s0, s3, $0xb8;
	[tilespmem:$0x14E20] =	vst v63  }
0xa9: {  	_ =	swait.ge [sflag:s19], $0x2000  }
0xaa: {  	[sflag:s19] =	ssyncset.done $0x0  }
0xab: {  	[sflag:s19] =	ssyncadd.s32 $0xFFFFE000  }
0xac: {  	_ =	swait.ge [sflag:s19], $0x2000  }
0xad: {  	[sflag:s19] =	ssyncset.done $0x0  }
0xae: {  	s15 =	simm.s32 $0xCE60;
	[sflag:s19] =	ssyncadd.s32 $0xFFFFE000  }
0xaf: {  	s4 =	simm.s32 $0xEE60;
	v0 =	vld [tilespmem:s15+$0x0]  }
0xb0: {  	v1 =	vld [tilespmem:s4+$0x0];
	_ =	sdelay $0x4  }
0xb1: {  	v2 =	vshll.u32 v0, $0x10;
	v3 =	vshll.u32 v1, $0x10  }
0xb2: {  	v0 =	vand.u32 $0xFFFF0000, v0;
	v1 =	vand.u32 $0xFFFF0000, v1;
	v2 =	vadd.f32 v3, v2  }
0xb3: {  	s26 =	simm.s32 $0x10EA0;
	v0 =	vadd.f32 v1, v0  }
0xb4: {  	[tilespmem:s26+$0x0] =	vst v2  }
0xb5: {  	[tilespmem:s26+$0x10] =	vst v0  }
0xb6: {  	v0 =	vld [tilespmem:s15+$0x10]  }
0xb7: {  	v1 =	vld [tilespmem:s4+$0x10];
	_ =	sdelay $0x1  }
0xb8: {  	s20 =	simm.s32 $0xEEE0  }
0xb9: {  	s14 =	simm.s32 $0xCEE0;
	v3 =	vld [tilespmem:s20+$0x0]  }
0xba: {  	v2 =	vld [tilespmem:s14+$0x0]  }
0xbb: {  	v4 =	vld [tilespmem:s4+$0xFFFFFFC0];
	v5 =	vshll.u32 v0, $0x10;
	v6 =	vshll.u32 v1, $0x10  }
0xbc: {  	v7 =	vld [tilespmem:s15+$0xFFFFFFC0];
	v0 =	vand.u32 $0xFFFF0000, v0;
	v1 =	vand.u32 $0xFFFF0000, v1;
	v5 =	vadd.f32 v6, v5  }
0xbd: {  	v6 =	vld [tilespmem:s20+$0xFFFFFFC0];
	v0 =	vadd.f32 v1, v0  }
0xbe: {  	v1 =	vld [tilespmem:s14+$0xFFFFFFC0];
	[tilespmem:s26+$0x20] =	vst v5  }
0xbf: {  	v8 =	vshll.u32 v3, $0x10;
	v5 =	vshll.u32 v2, $0x10;
	[tilespmem:s26+$0x30] =	vst v0  }
0xc0: {  	v3 =	vand.u32 $0xFFFF0000, v3;
	v2 =	vand.u32 $0xFFFF0000, v2;
	v0 =	vadd.f32 v8, v5;
	v5 =	vld [tilespmem:s15+$0x20]  }
0xc1: {  	s25 =	simm.s32 $0x10FA0;
	v9 =	vshll.u32 v7, $0x10;
	v8 =	vshll.u32 v4, $0x10;
	v2 =	vadd.f32 v3, v2;
	v3 =	vld [tilespmem:s4+$0x20]  }
0xc2: {  	v7 =	vand.u32 $0xFFFF0000, v7;
	v4 =	vand.u32 $0xFFFF0000, v4;
	v8 =	vadd.f32 v8, v9;
	[tilespmem:s25+$0x0] =	vst v0  }
0xc3: {  	v0 =	vadd.f32 v4, v7;
	v4 =	vshll.u32 v6, $0x10;
	v7 =	vshll.u32 v1, $0x10;
	[tilespmem:s25+$0x10] =	vst v2  }
0xc4: {  	v2 =	vand.u32 $0xFFFF0000, v6;
	v1 =	vand.u32 $0xFFFF0000, v1;
	[tilespmem:s26+$0xFFFFFF80] =	vst v8;
	v4 =	vadd.f32 v4, v7;
	v6 =	vld [tilespmem:s14+$0x10]  }
0xc5: {  	s30 =	simm.s32 $0xCF60;
	[tilespmem:s26+$0xFFFFFF90] =	vst v0;
	v0 =	vadd.f32 v2, v1;
	v1 =	vld [tilespmem:s20+$0x10]  }
0xc6: {  	v11 =	vld [tilespmem:s30+$0xFFFFFFC0];
	[tilespmem:s25+$0xFFFFFF80] =	vst v4;
	v4 =	vshll.u32 v5, $0x10;
	v7 =	vshll.u32 v3, $0x10  }
0xc7: {  	v2 =	vld [tilespmem:s15+$0xFFFFFFD0];
	v3 =	vand.u32 $0xFFFF0000, v3;
	[tilespmem:s25+$0xFFFFFF90] =	vst v0;
	v0 =	vadd.f32 v7, v4;
	v4 =	vand.u32 $0xFFFF0000, v5  }
0xc8: {  	v8 =	vld [tilespmem:s4+$0xFFFFFFD0];
	v3 =	vadd.f32 v3, v4  }
0xc9: {  	s29 =	simm.s32 $0xEF60;
	v4 =	vld [tilespmem:s30+$0x0];
	[tilespmem:s26+$0x40] =	vst v0  }
0xca: {  	v0 =	vld [tilespmem:s29+$0x0];
	[tilespmem:s26+$0x50] =	vst v3;
	v3 =	vshll.u32 v6, $0x10;
	v7 =	vshll.u32 v1, $0x10  }
0xcb: {  	v5 =	vld [tilespmem:s14+$0xFFFFFFD0];
	v6 =	vand.u32 $0xFFFF0000, v6;
	v1 =	vand.u32 $0xFFFF0000, v1;
	v3 =	vadd.f32 v7, v3  }
0xcc: {  	v9 =	vld [tilespmem:s15+$0x30];
	v1 =	vadd.f32 v1, v6  }
0xcd: {  	v7 =	vld [tilespmem:s29+$0xFFFFFFC0];
	v6 =	vshll.u32 v2, $0x10;
	v10 =	vshll.u32 v8, $0x10;
	[tilespmem:s25+$0x20] =	vst v3  }
0xce: {  	v2 =	vand.u32 $0xFFFF0000, v2;
	v3 =	vadd.f32 v10, v6;
	v6 =	vand.u32 $0xFFFF0000, v8;
	v8 =	vld [tilespmem:s4+$0x30];
	[tilespmem:s25+$0x30] =	vst v1  }
0xcf: {  	v1 =	vadd.f32 v6, v2;
	v2 =	vshll.u32 v4, $0x10;
	v6 =	vshll.u32 v0, $0x10;
	v10 =	vld [tilespmem:s14+$0x20]  }
0xd0: {  	v0 =	vand.u32 $0xFFFF0000, v0;
	[tilespmem:s26+$0xFFFFFFA0] =	vst v3;
	v2 =	vadd.f32 v6, v2;
	v3 =	vand.u32 $0xFFFF0000, v4;
	v4 =	vld [tilespmem:s20+$0x20]  }
0xd1: {  	s28 =	simm.s32 $0x110A0;
	v12 =	vshll.u32 v11, $0x10;
	[tilespmem:s26+$0xFFFFFFB0] =	vst v1;
	v1 =	vld [tilespmem:s20+$0xFFFFFFD0];
	v0 =	vadd.f32 v0, v3  }
0xd2: {  	v11 =	vand.u32 $0xFFFF0000, v11;
	v3 =	vshll.u32 v5, $0x10;
	v6 =	vshll.u32 v7, $0x10;
	[tilespmem:s28+$0x0] =	vst v2;
	v2 =	vld [tilespmem:s15+$0xFFFFFFE0]  }
0xd3: {  	v7 =	vand.u32 $0xFFFF0000, v7;
	v5 =	vand.u32 $0xFFFF0000, v5;
	v6 =	vadd.f32 v6, v12;
	[tilespmem:s28+$0x10] =	vst v0;
	v0 =	vld [tilespmem:s4+$0xFFFFFFE0]  }
0xd4: {  	v12 =	vand.u32 $0xFFFF0000, v9;
	v7 =	vadd.f32 v7, v11;
	v13 =	vand.u32 $0xFFFF0000, v8;
	v11 =	vld [tilespmem:s30+$0x10]  }
0xd5: {  	[tilespmem:s28+$0xFFFFFF80] =	vst v6;
	v6 =	vld [tilespmem:s29+$0x10];
	v14 =	vshll.u32 v10, $0x10;
	v10 =	vand.u32 $0xFFFF0000, v10;
	v15 =	vshll.u32 v4, $0x10  }
0xd6: {  	[tilespmem:s28+$0xFFFFFF90] =	vst v7;
	v12 =	vadd.f32 v13, v12;
	v4 =	vand.u32 $0xFFFF0000, v4;
	v7 =	vadd.f32 v15, v14  }
0xd7: {  	s0 =	simm.s32 $0xCFE0;
	v13 =	vshll.u32 v1, $0x10;
	v14 =	vld [tilespmem:s30+$0xFFFFFFD0];
	v4 =	vadd.f32 v4, v10;
	v1 =	vand.u32 $0xFFFF0000, v1  }
0xd8: {  	s21 =	simm.s32 $0xEFE0;
	v9 =	vshll.u32 v9, $0x10;
	v10 =	vld [tilespmem:s0+$0x0];
	v3 =	vadd.f32 v13, v3;
	v1 =	vadd.f32 v1, v5;
	[tilespmem:s25+$0x40] =	vst v7  }
0xd9: {  	v5 =	vshll.u32 v2, $0x10;
	v2 =	vand.u32 $0xFFFF0000, v2;
	v7 =	vshll.u32 v8, $0x10;
	v8 =	vld [tilespmem:s21+$0x0];
	[tilespmem:s25+$0x50] =	vst v4  }
0xda: {  	[tilespmem:s26+$0x70] =	vst v12;
	v4 =	vshll.u32 v0, $0x10;
	v13 =	vshll.u32 v11, $0x10;
	v15 =	vshll.u32 v6, $0x10;
	v16 =	vld [tilespmem:s14+$0x30]  }
0xdb: {  	v11 =	vand.u32 $0xFFFF0000, v11;
	v6 =	vand.u32 $0xFFFF0000, v6;
	[tilespmem:s25+$0xFFFFFFA0] =	vst v3;
	v3 =	vld [tilespmem:s21+$0xFFFFFFC0];
	v12 =	vadd.f32 v15, v13  }
0xdc: {  	v0 =	vand.u32 $0xFFFF0000, v0;
	v4 =	vadd.f32 v4, v5;
	[tilespmem:s25+$0xFFFFFFB0] =	vst v1;
	v13 =	vld [tilespmem:s20+$0x30];
	v6 =	vadd.f32 v6, v11  }
0xdd: {  	v0 =	vadd.f32 v0, v2;
	v5 =	vld [tilespmem:s0+$0xFFFFFFC0];
	v7 =	vadd.f32 v7, v9;
	[tilespmem:s28+$0x20] =	vst v12  }
0xde: {  	v2 =	vshll.u32 v14, $0x10;
	v11 =	vand.u32 $0xFFFF0000, v14;
	v9 =	vshll.u32 v10, $0x10;
	v12 =	vld [tilespmem:s29+$0xFFFFFFD0];
	[tilespmem:s28+$0x30] =	vst v6  }
0xdf: {  	[tilespmem:s26+$0xFFFFFFC0] =	vst v4;
	v6 =	vand.u32 $0xFFFF0000, v10;
	v1 =	vshll.u32 v8, $0x10;
	v8 =	vand.u32 $0xFFFF0000, v8;
	v10 =	vld [tilespmem:s30+$0x20]  }
0xe0: {  	[tilespmem:s26+$0xFFFFFFD0] =	vst v0;
	v1 =	vadd.f32 v1, v9;
	v4 =	vadd.f32 v8, v6;
	v6 =	vld [tilespmem:s29+$0x20];
	v8 =	vand.u32 $0xFFFF0000, v16  }
0xe1: {  	s22 =	simm.s32 $0x111A0;
	v14 =	vld [tilespmem:s14+$0xFFFFFFE0];
	[tilespmem:s26+$0x60] =	vst v7;
	v9 =	vshll.u32 v3, $0x10;
	v3 =	vand.u32 $0xFFFF0000, v3;
	v0 =	vand.u32 $0xFFFF0000, v13  }
0xe2: {  	v15 =	vld [tilespmem:s15+$0xFFFFFFF0];
	[tilespmem:s22+$0x0] =	vst v1;
	v0 =	vadd.f32 v0, v8;
	v1 =	vshll.u32 v5, $0x10;
	v5 =	vand.u32 $0xFFFF0000, v5  }
0xe3: {  	v8 =	vld [tilespmem:s20+$0xFFFFFFE0];
	[tilespmem:s22+$0x10] =	vst v4;
	v4 =	vshll.u32 v16, $0x10;
	v1 =	vadd.f32 v9, v1;
	v9 =	vshll.u32 v12, $0x10  }
0xe4: {  	v3 =	vadd.f32 v3, v5;
	v5 =	vld [tilespmem:s0+$0x10];
	[tilespmem:s25+$0x70] =	vst v0;
	v0 =	vadd.f32 v9, v2;
	v2 =	vand.u32 $0xFFFF0000, v12  }
0xe5: {  	v9 =	vshll.u32 v13, $0x10;
	v12 =	vshll.u32 v10, $0x10;
	[tilespmem:s22+$0xFFFFFF80] =	vst v1;
	v1 =	vld [tilespmem:s21+$0x10];
	v13 =	vshll.u32 v6, $0x10  }
0xe6: {  	v10 =	vand.u32 $0xFFFF0000, v10;
	[tilespmem:s22+$0xFFFFFF90] =	vst v3;
	v6 =	vand.u32 $0xFFFF0000, v6;
	v3 =	vadd.f32 v13, v12;
	v12 =	vld [tilespmem:s4+$0xFFFFFFF0]  }
0xe7: {  	s12 =	simm.s32 $0xD060;
	v2 =	vadd.f32 v2, v11;
	v7 =	vld [tilespmem:s0+$0xFFFFFFD0];
	v6 =	vadd.f32 v6, v10;
	v10 =	vshll.u32 v14, $0x10;
	[tilespmem:s28+$0xFFFFFFA0] =	vst v0  }
0xe8: {  	s3 =	simm.s32 $0xF060;
	v13 =	vld [tilespmem:s12+$0x0];
	v0 =	vand.u32 $0xFFFF0000, v15;
	v11 =	vshll.u32 v8, $0x10;
	v8 =	vand.u32 $0xFFFF0000, v8;
	[tilespmem:s28+$0x40] =	vst v3  }
0xe9: {  	v3 =	vand.u32 $0xFFFF0000, v14;
	v10 =	vadd.f32 v11, v10;
	v11 =	vld [tilespmem:s3+$0x0];
	[tilespmem:s28+$0x50] =	vst v6;
	v6 =	vshll.u32 v15, $0x10  }
0xea: {  	v3 =	vadd.f32 v8, v3;
	v8 =	vshll.u32 v5, $0x10;
	v15 =	vld [tilespmem:s30+$0x30];
	v14 =	vshll.u32 v1, $0x10  }
0xeb: {  	[tilespmem:s28+$0xFFFFFFB0] =	vst v2;
	v5 =	vand.u32 $0xFFFF0000, v5;
	v1 =	vand.u32 $0xFFFF0000, v1;
	v2 =	vadd.f32 v14, v8;
	v14 =	vld [tilespmem:s29+$0x30]  }
0xec: {  	v9 =	vadd.f32 v9, v4;
	[tilespmem:s25+$0xFFFFFFC0] =	vst v10;
	v8 =	vld [tilespmem:s3+$0xFFFFFFC0];
	v10 =	vshll.u32 v7, $0x10;
	v5 =	vadd.f32 v1, v5  }
0xed: {  	v16 =	vand.u32 $0xFFFF0000, v7;
	v7 =	vld [tilespmem:s12+$0xFFFFFFC0];
	v1 =	vand.u32 $0xFFFF0000, v12;
	[tilespmem:s22+$0x20] =	vst v2;
	v2 =	vshll.u32 v12, $0x10  }
0xee: {  	v4 =	vshll.u32 v13, $0x10;
	v12 =	vshll.u32 v11, $0x10;
	[tilespmem:s22+$0x30] =	vst v5;
	v5 =	vld [tilespmem:s21+$0xFFFFFFD0];
	v2 =	vadd.f32 v2, v6  }
0xef: {  	[tilespmem:s25+$0xFFFFFFD0] =	vst v3;
	v3 =	vadd.f32 v12, v4;
	v4 =	vand.u32 $0xFFFF0000, v13;
	v6 =	vand.u32 $0xFFFF0000, v11;
	v11 =	vld [tilespmem:s0+$0x20]  }
0xf0: {  	[tilespmem:s25+$0x60] =	vst v9;
	v13 =	vld [tilespmem:s21+$0x20];
	v12 =	vand.u32 $0xFFFF0000, v15;
	v4 =	vadd.f32 v6, v4;
	v17 =	vand.u32 $0xFFFF0000, v14  }
0xf1: {  	s31 =	simm.s32 $0x112A0;
	v6 =	vld [tilespmem:s30+$0xFFFFFFE0];
	[tilespmem:s26+$0xFFFFFFE0] =	vst v2;
	v18 =	vshll.u32 v8, $0x10;
	v8 =	vand.u32 $0xFFFF0000, v8;
	v2 =	vshll.u32 v15, $0x10  }
0xf2: {  	[tilespmem:s31+$0x0] =	vst v3;
	v3 =	vadd.f32 v17, v12;
	v12 =	vshll.u32 v7, $0x10;
	v17 =	vand.u32 $0xFFFF0000, v7;
	v7 =	vld [tilespmem:s29+$0xFFFFFFE0]  }
0xf3: {  	[tilespmem:s31+$0x10] =	vst v4;
	v4 =	vld [tilespmem:s14+$0xFFFFFFF0];
	v12 =	vadd.f32 v18, v12;
	v15 =	vadd.f32 v8, v17;
	v17 =	vshll.u32 v5, $0x10  }
0xf4: {  	v8 =	vld [tilespmem:s12+$0x10];
	v5 =	vand.u32 $0xFFFF0000, v5;
	[tilespmem:s28+$0x70] =	vst v3;
	v17 =	vadd.f32 v17, v10;
	v3 =	vshll.u32 v14, $0x10  }
0xf5: {  	v10 =	vld [tilespmem:s3+$0x10];
	v9 =	vadd.f32 v5, v16;
	v5 =	vshll.u32 v11, $0x10;
	[tilespmem:s31+$0xFFFFFF80] =	vst v12;
	v12 =	vshll.u32 v13, $0x10  }
0xf6: {  	v14 =	vand.u32 $0xFFFF0000, v11;
	[tilespmem:s31+$0xFFFFFF90] =	vst v15;
	v13 =	vand.u32 $0xFFFF0000, v13;
	v12 =	vadd.f32 v12, v5;
	v5 =	vld [tilespmem:s20+$0xFFFFFFF0]  }
0xf7: {  	s15 =	simm.s32 $0x8;
	s4 =	simm.s32 $0xD0E0;
	s14 =	simm.s32 $0xF060;
	v11 =	vld [tilespmem:s12+$0xFFFFFFD0];
	[tilespmem:s22+$0xFFFFFFA0] =	vst v17;
	v15 =	vadd.f32 v13, v14;
	v13 =	vshll.u32 v6, $0x10;
	v14 =	vshll.u32 v7, $0x10  }
.LBB2_5:
0xf8: {  	v16 =	vld [tilespmem:s4+$0x0];
	s3 =	sadd.s32 $0x80, s3;
	[tilespmem:s22+$0x40] =	vst v12;
	v12 =	vadd.f32 v14, v13;
	v6 =	vand.u32 $0xFFFF0000, v6;
	v7 =	vand.u32 $0xFFFF0000, v7  }
0xf9: {  	v13 =	vld [tilespmem:s3+$0x0];
	[tilespmem:s22+$0x50] =	vst v15;
	v6 =	vadd.f32 v7, v6;
	v7 =	vshll.u32 v4, $0x10;
	v4 =	vand.u32 $0xFFFF0000, v4  }
0xfa: {  	v17 =	vadd.f32 v1, v0;
	v14 =	vshll.u32 v8, $0x10;
	v15 =	vshll.u32 v10, $0x10;
	[tilespmem:s22+$0xFFFFFFB0] =	vst v9;
	v9 =	vld [tilespmem:s0+$0x30];
	v0 =	vmovc v4  }
0xfb: {  	v4 =	vand.u32 $0xFFFF0000, v8;
	v8 =	vand.u32 $0xFFFF0000, v10;
	v1 =	vadd.f32 v15, v14;
	v10 =	vld [tilespmem:s21+$0x30];
	[tilespmem:s28+$0xFFFFFFC0] =	vst v12  }
0xfc: {  	v4 =	vadd.f32 v8, v4;
	v12 =	vld [tilespmem:s3+$0xFFFFFFC0];
	v14 =	vshll.u32 v11, $0x10;
	v11 =	vand.u32 $0xFFFF0000, v11;
	[tilespmem:s28+$0xFFFFFFD0] =	vst v6  }
0xfd: {  	v15 =	vadd.f32 v3, v2;
	v2 =	vshll.u32 v5, $0x10;
	v8 =	vld [tilespmem:s4+$0xFFFFFFC0];
	[tilespmem:s31+$0x20] =	vst v1;
	v1 =	vand.u32 $0xFFFF0000, v5  }
0xfe: {  	v2 =	vadd.f32 v2, v7;
	v3 =	vshll.u32 v16, $0x10;
	v5 =	vshll.u32 v13, $0x10;
	v18 =	vld [tilespmem:s14+$0xFFFFFFD0];
	[tilespmem:s31+$0x30] =	vst v4  }
0xff: {  	v4 =	vand.u32 $0xFFFF0000, v16;
	v3 =	vadd.f32 v5, v3;
	v5 =	vand.u32 $0xFFFF0000, v13;
	v13 =	vld [tilespmem:s12+$0x20];
	[tilespmem:s26+$0xFFFFFFF0] =	vst v17;
	s26 =	smov.u32 s25;
	s25 =	smov.u32 s28;
	s28 =	smov.u32 s22  }
0x100: {  	s15 =	sadd.s32 $0x2, s15;
	v7 =	vand.u32 $0xFFFF0000, v9;
	s22 =	smov.u32 s31;
	s31 =	sadd.s32 $0x100, s31;
	v4 =	vadd.f32 v5, v4;
	v5 =	vld [tilespmem:s14+$0x20];
	v16 =	vand.u32 $0xFFFF0000, v10;
	[tilespmem:s26+$0xFFFFFFE0] =	vst v2  }
0x101: {  	p1 =	slt.u32 s15, $0x7E;
	v17 =	vshll.u32 v12, $0x10;
	v12 =	vand.u32 $0xFFFF0000, v12;
	[tilespmem:s31+$0x0] =	vst v3;
	v6 =	vld [tilespmem:s0+$0xFFFFFFE0];
	v3 =	vadd.f32 v16, v7  }
0x102: {  	v2 =	vshll.u32 v9, $0x10;
	v16 =	vshll.u32 v8, $0x10;
	v8 =	vand.u32 $0xFFFF0000, v8;
	[tilespmem:s31+$0x10] =	vst v4;
	v7 =	vld [tilespmem:s21+$0xFFFFFFE0]  }
.Ltmp1:
0x103: {  	v9 =	vadd.f32 v17, v16;
	v12 =	vadd.f32 v12, v8;
	v16 =	vshll.u32 v18, $0x10;
	[tilespmem:s28+$0x70] =	vst v3;
	v4 =	vld [tilespmem:s30+$0xFFFFFFF0];
	s30 =	smov.u32 s0;
	s0 =	smov.u32 s12;
	(pc) =	sbr.rel @p1 .LBB2_5-.Ltmp1, $4  }
0x104: {  	v3 =	vshll.u32 v10, $0x10;
	s12 =	smov.u32 s4;
	v8 =	vld [tilespmem:s4+$0x10];
	v14 =	vadd.f32 v16, v14;
	v16 =	vand.u32 $0xFFFF0000, v18;
	[tilespmem:s25+$0x60] =	vst v15  }
0x105: {  	[tilespmem:s31+$0xFFFFFF80] =	vst v9;
	v10 =	vld [tilespmem:s3+$0x10];
	v9 =	vadd.f32 v16, v11;
	v11 =	vshll.u32 v13, $0x10;
	v15 =	vshll.u32 v5, $0x10  }
0x106: {  	v13 =	vand.u32 $0xFFFF0000, v13;
	[tilespmem:s31+$0xFFFFFF90] =	vst v12;
	v12 =	vadd.f32 v15, v11;
	v15 =	vand.u32 $0xFFFF0000, v5;
	v5 =	vld [tilespmem:s29+$0xFFFFFFF0];
	s29 =	smov.u32 s21;
	s21 =	smov.u32 s14;
	s14 =	smov.u32 s3  }
0x107: {  	s4 =	sadd.s32 $0x80, s4;
	v11 =	vld [tilespmem:s12+$0xFFFFFFD0];
	[tilespmem:s22+$0xFFFFFFA0] =	vst v14;
	v15 =	vadd.f32 v15, v13;
	v13 =	vshll.u32 v6, $0x10;
	v14 =	vshll.u32 v7, $0x10  }
0x108: {  	v56 =	vld [tilespmem:s14+$0xFFFFFFD0];
	_ =	sdelay $0x2  }
0x109: {  	[tilespmem:s22+$0x40] =	vst v12;
	v16 =	vshll.u32 v8, $0x10;
	v17 =	vshll.u32 v10, $0x10  }
0x10a: {  	[tilespmem:s22+$0xFFFFFFB0] =	vst v9;
	v54 =	vand.u32 $0xFFFF0000, v8;
	v55 =	vand.u32 $0xFFFF0000, v10;
	v16 =	vadd.f32 v17, v16  }
0x10b: {  	[tilespmem:s22+$0x50] =	vst v15;
	v8 =	vadd.f32 v55, v54;
	v57 =	vshll.u32 v11, $0x10;
	v59 =	vshll.u32 v56, $0x10  }
0x10c: {  	v18 =	vld [tilespmem:s0+$0xFFFFFFE0];
	v62 =	vand.u32 $0xFFFF0000, v11;
	[tilespmem:s31+$0x20] =	vst v16;
	v63 =	vand.u32 $0xFFFF0000, v56;
	v60 =	vadd.f32 v59, v57  }
0x10d: {  	v19 =	vld [tilespmem:s21+$0xFFFFFFE0];
	[tilespmem:s31+$0x30] =	vst v8;
	v11 =	vadd.f32 v63, v62  }
0x10e: {  	v13 =	vadd.f32 v14, v13;
	v8 =	vld [tilespmem:s12+$0x20];
	[tilespmem:s31+$0xFFFFFFA0] =	vst v60  }
0x10f: {  	v0 =	vadd.f32 v1, v0;
	v58 =	vld [tilespmem:s14+$0x20];
	[tilespmem:s31+$0xFFFFFFB0] =	vst v11  }
0x110: {  	v6 =	vand.u32 $0xFFFF0000, v6;
	v7 =	vand.u32 $0xFFFF0000, v7;
	v2 =	vadd.f32 v3, v2;
	[tilespmem:s28+$0xFFFFFFC0] =	vst v13;
	v11 =	vld [tilespmem:s12+$0xFFFFFFE0]  }
0x111: {  	v26 =	vshll.u32 v4, $0x10;
	v6 =	vadd.f32 v7, v6;
	[tilespmem:s26+$0xFFFFFFF0] =	vst v0;
	v27 =	vshll.u32 v5, $0x10;
	v25 =	vld [tilespmem:s14+$0xFFFFFFE0]  }
0x112: {  	[tilespmem:s28+$0x60] =	vst v2;
	v29 =	vadd.f32 v27, v26;
	v31 =	vshll.u32 v18, $0x10;
	v32 =	vshll.u32 v19, $0x10  }
0x113: {  	v61 =	vld [tilespmem:s0+$0x30];
	[tilespmem:s28+$0xFFFFFFD0] =	vst v6;
	v34 =	vand.u32 $0xFFFF0000, v18;
	v14 =	vand.u32 $0xFFFF0000, v19;
	v12 =	vadd.f32 v32, v31  }
0x114: {  	v20 =	vld [tilespmem:s21+$0x30];
	[tilespmem:s25+$0xFFFFFFE0] =	vst v29;
	v37 =	vadd.f32 v14, v34;
	v21 =	vshll.u32 v8, $0x10;
	v22 =	vshll.u32 v58, $0x10  }
0x115: {  	v30 =	vld [tilespmem:s30+$0xFFFFFFF0];
	[tilespmem:s22+$0xFFFFFFC0] =	vst v12;
	v23 =	vand.u32 $0xFFFF0000, v8;
	v24 =	vand.u32 $0xFFFF0000, v58;
	v1 =	vadd.f32 v22, v21  }
0x116: {  	v33 =	vld [tilespmem:s29+$0xFFFFFFF0];
	[tilespmem:s22+$0xFFFFFFD0] =	vst v37;
	v28 =	vadd.f32 v24, v23;
	v40 =	vshll.u32 v11, $0x10;
	v41 =	vshll.u32 v25, $0x10  }
0x117: {  	v43 =	vld [tilespmem:s0+$0xFFFFFFF0];
	[tilespmem:s31+$0x40] =	vst v1;
	v11 =	vand.u32 $0xFFFF0000, v11;
	v9 =	vand.u32 $0xFFFF0000, v25;
	v42 =	vadd.f32 v41, v40  }
0x118: {  	v44 =	vand.u32 $0xFFFF0000, v4;
	v45 =	vand.u32 $0xFFFF0000, v5;
	v46 =	vld [tilespmem:s21+$0xFFFFFFF0];
	[tilespmem:s31+$0x50] =	vst v28;
	v9 =	vadd.f32 v9, v11  }
0x119: {  	v3 =	vadd.f32 v45, v44;
	v35 =	vand.u32 $0xFFFF0000, v61;
	v36 =	vand.u32 $0xFFFF0000, v20;
	v38 =	vld [tilespmem:s12+$0x30];
	[tilespmem:s31+$0xFFFFFFC0] =	vst v42  }
0x11a: {  	v10 =	vshll.u32 v61, $0x10;
	v7 =	vshll.u32 v20, $0x10;
	v0 =	vadd.f32 v36, v35;
	v39 =	vld [tilespmem:s14+$0x30];
	[tilespmem:s31+$0xFFFFFFD0] =	vst v9  }
0x11b: {  	[tilespmem:s25+$0xFFFFFFF0] =	vst v3;
	v7 =	vadd.f32 v7, v10;
	v47 =	vshll.u32 v30, $0x10;
	v48 =	vshll.u32 v33, $0x10;
	v9 =	vld [tilespmem:s12+$0xFFFFFFF0]  }
0x11c: {  	v54 =	vand.u32 $0xFFFF0000, v30;
	[tilespmem:s22+$0x70] =	vst v0;
	v49 =	vadd.f32 v48, v47;
	v1 =	vand.u32 $0xFFFF0000, v33;
	v53 =	vld [tilespmem:s14+$0xFFFFFFF0]  }
0x11d: {  	[tilespmem:s22+$0x60] =	vst v7;
	v55 =	vshll.u32 v43, $0x10;
	v1 =	vadd.f32 v1, v54;
	v56 =	vshll.u32 v46, $0x10  }
0x11e: {  	[tilespmem:s28+$0xFFFFFFE0] =	vst v49;
	v0 =	vand.u32 $0xFFFF0000, v43;
	v5 =	vand.u32 $0xFFFF0000, v46;
	v2 =	vadd.f32 v56, v55  }
0x11f: {  	s24 =	sadd.s32 $0x1, s24;
	v0 =	vadd.f32 v5, v0;
	[tilespmem:s28+$0xFFFFFFF0] =	vst v1;
	v50 =	vand.u32 $0xFFFF0000, v38;
	v51 =	vand.u32 $0xFFFF0000, v39  }
0x120: {  	p1 =	sne.s32 s24, $0x27;
	[tilespmem:s22+$0xFFFFFFE0] =	vst v2;
	v57 =	vshll.u32 v38, $0x10;
	v58 =	vshll.u32 v39, $0x10;
	v52 =	vadd.f32 v51, v50  }
.Ltmp2:
0x121: {  	[tilespmem:s22+$0xFFFFFFF0] =	vst v0;
	v59 =	vadd.f32 v58, v57;
	v60 =	vshll.u32 v9, $0x10;
	v61 =	vshll.u32 v53, $0x10;
	(pc) =	sbr.rel @p1 .LBB2_2-.Ltmp2, $4  }
0x122: {  	[tilespmem:s31+$0x70] =	vst v52;
	v62 =	vand.u32 $0xFFFF0000, v9;
	v4 =	vand.u32 $0xFFFF0000, v53;
	v1 =	vadd.f32 v61, v60  }
0x123: {  	[tilespmem:s31+$0x60] =	vst v59;
	v63 =	vadd.f32 v4, v62  }
0x124: {  	[tilespmem:s31+$0xFFFFFFE0] =	vst v1  }
0x125: {  	[tilespmem:s31+$0xFFFFFFF0] =	vst v63  }
0x126: {  	s30 =	simm.s32 $0x4E20;
	s0 =	simm.s32 $0x10;
	s3 =	simm.s32 $0x2700  }
0x127: {  	[tilespmem:s30], [sflag:$0x1] =	stream.indirect.gather [hbm4b:s2+s0], $0x40, s3, s0, $0xb8;
	[tilespmem:$0x14E20] =	vst v63  }
0x128: {  	s31 =	simm.s32 $0x6E20;
	s12 =	simm.s32 $0x4E10  }
0x129: {  	[tilespmem:s31], [sflag:$0x1] =	stream.indirect.gather [hbm4b:s2+s0], $0x40, s12, s0, $0xb8;
	[tilespmem:$0x14E20] =	vst v63  }
0x12a: {  	_ =	swait.ge [sflag:s18], $0x400  }
0x12b: {  	[sflag:s18] =	ssyncset.done $0x0  }
0x12c: {  	[sflag:s18] =	ssyncadd.s32 $0xFFFFFC00  }
0x12d: {  	_ =	swait.ge [sflag:s18], $0x400  }
0x12e: {  	[sflag:s18] =	ssyncset.done $0x0  }
0x12f: {  	s14 =	simm.s32 $0x4E60;
	[sflag:s18] =	ssyncadd.s32 $0xFFFFFC00  }
0x130: {  	s12 =	simm.s32 $0x6E60;
	v0 =	vld [tilespmem:s14+$0x0]  }
0x131: {  	v1 =	vld [tilespmem:s12+$0x0];
	_ =	sdelay $0x4  }
0x132: {  	v2 =	vshll.u32 v0, $0x10;
	v3 =	vshll.u32 v1, $0x10  }
0x133: {  	v0 =	vand.u32 $0xFFFF0000, v0;
	v1 =	vand.u32 $0xFFFF0000, v1;
	v2 =	vadd.f32 v3, v2  }
0x134: {  	s25 =	simm.s32 $0x8EA0;
	v0 =	vadd.f32 v1, v0  }
0x135: {  	[tilespmem:s25+$0x0] =	vst v2  }
0x136: {  	[tilespmem:s25+$0x10] =	vst v0  }
0x137: {  	v0 =	vld [tilespmem:s14+$0x10]  }
0x138: {  	v1 =	vld [tilespmem:s12+$0x10];
	_ =	sdelay $0x1  }
0x139: {  	s15 =	simm.s32 $0x6EE0  }
0x13a: {  	s20 =	simm.s32 $0x4EE0;
	v3 =	vld [tilespmem:s15+$0x0]  }
0x13b: {  	v2 =	vld [tilespmem:s20+$0x0]  }
0x13c: {  	v4 =	vld [tilespmem:s12+$0xFFFFFFC0];
	v5 =	vshll.u32 v0, $0x10;
	v6 =	vshll.u32 v1, $0x10  }
0x13d: {  	v7 =	vld [tilespmem:s14+$0xFFFFFFC0];
	v0 =	vand.u32 $0xFFFF0000, v0;
	v1 =	vand.u32 $0xFFFF0000, v1;
	v5 =	vadd.f32 v6, v5  }
0x13e: {  	v6 =	vld [tilespmem:s15+$0xFFFFFFC0];
	v0 =	vadd.f32 v1, v0  }
0x13f: {  	v1 =	vld [tilespmem:s20+$0xFFFFFFC0];
	[tilespmem:s25+$0x20] =	vst v5  }
0x140: {  	v8 =	vshll.u32 v3, $0x10;
	v5 =	vshll.u32 v2, $0x10;
	[tilespmem:s25+$0x30] =	vst v0  }
0x141: {  	v3 =	vand.u32 $0xFFFF0000, v3;
	v2 =	vand.u32 $0xFFFF0000, v2;
	v0 =	vadd.f32 v8, v5;
	v5 =	vld [tilespmem:s14+$0x20]  }
0x142: {  	s24 =	simm.s32 $0x8FA0;
	v9 =	vshll.u32 v7, $0x10;
	v8 =	vshll.u32 v4, $0x10;
	v2 =	vadd.f32 v3, v2;
	v3 =	vld [tilespmem:s12+$0x20]  }
0x143: {  	v7 =	vand.u32 $0xFFFF0000, v7;
	v4 =	vand.u32 $0xFFFF0000, v4;
	v8 =	vadd.f32 v8, v9;
	[tilespmem:s24+$0x0] =	vst v0  }
0x144: {  	v0 =	vadd.f32 v4, v7;
	v4 =	vshll.u32 v6, $0x10;
	v7 =	vshll.u32 v1, $0x10;
	[tilespmem:s24+$0x10] =	vst v2  }
0x145: {  	v2 =	vand.u32 $0xFFFF0000, v6;
	v1 =	vand.u32 $0xFFFF0000, v1;
	[tilespmem:s25+$0xFFFFFF80] =	vst v8;
	v4 =	vadd.f32 v4, v7;
	v6 =	vld [tilespmem:s20+$0x10]  }
0x146: {  	s29 =	simm.s32 $0x4F60;
	[tilespmem:s25+$0xFFFFFF90] =	vst v0;
	v0 =	vadd.f32 v2, v1;
	v1 =	vld [tilespmem:s15+$0x10]  }
0x147: {  	v11 =	vld [tilespmem:s29+$0xFFFFFFC0];
	[tilespmem:s24+$0xFFFFFF80] =	vst v4;
	v4 =	vshll.u32 v5, $0x10;
	v7 =	vshll.u32 v3, $0x10  }
0x148: {  	v2 =	vld [tilespmem:s14+$0xFFFFFFD0];
	v3 =	vand.u32 $0xFFFF0000, v3;
	[tilespmem:s24+$0xFFFFFF90] =	vst v0;
	v0 =	vadd.f32 v7, v4;
	v4 =	vand.u32 $0xFFFF0000, v5  }
0x149: {  	v8 =	vld [tilespmem:s12+$0xFFFFFFD0];
	v3 =	vadd.f32 v3, v4  }
0x14a: {  	s28 =	simm.s32 $0x6F60;
	v4 =	vld [tilespmem:s29+$0x0];
	[tilespmem:s25+$0x40] =	vst v0  }
0x14b: {  	v0 =	vld [tilespmem:s28+$0x0];
	[tilespmem:s25+$0x50] =	vst v3;
	v3 =	vshll.u32 v6, $0x10;
	v7 =	vshll.u32 v1, $0x10  }
0x14c: {  	v5 =	vld [tilespmem:s20+$0xFFFFFFD0];
	v6 =	vand.u32 $0xFFFF0000, v6;
	v1 =	vand.u32 $0xFFFF0000, v1;
	v3 =	vadd.f32 v7, v3  }
0x14d: {  	v9 =	vld [tilespmem:s14+$0x30];
	v1 =	vadd.f32 v1, v6  }
0x14e: {  	v7 =	vld [tilespmem:s28+$0xFFFFFFC0];
	v6 =	vshll.u32 v2, $0x10;
	v10 =	vshll.u32 v8, $0x10;
	[tilespmem:s24+$0x20] =	vst v3  }
0x14f: {  	v2 =	vand.u32 $0xFFFF0000, v2;
	v3 =	vadd.f32 v10, v6;
	v6 =	vand.u32 $0xFFFF0000, v8;
	v8 =	vld [tilespmem:s12+$0x30];
	[tilespmem:s24+$0x30] =	vst v1  }
0x150: {  	v1 =	vadd.f32 v6, v2;
	v2 =	vshll.u32 v4, $0x10;
	v6 =	vshll.u32 v0, $0x10;
	v10 =	vld [tilespmem:s20+$0x20]  }
0x151: {  	v0 =	vand.u32 $0xFFFF0000, v0;
	[tilespmem:s25+$0xFFFFFFA0] =	vst v3;
	v2 =	vadd.f32 v6, v2;
	v3 =	vand.u32 $0xFFFF0000, v4;
	v4 =	vld [tilespmem:s15+$0x20]  }
0x152: {  	s26 =	simm.s32 $0x90A0;
	v12 =	vshll.u32 v11, $0x10;
	[tilespmem:s25+$0xFFFFFFB0] =	vst v1;
	v1 =	vld [tilespmem:s15+$0xFFFFFFD0];
	v0 =	vadd.f32 v0, v3  }
0x153: {  	v11 =	vand.u32 $0xFFFF0000, v11;
	v3 =	vshll.u32 v5, $0x10;
	v6 =	vshll.u32 v7, $0x10;
	[tilespmem:s26+$0x0] =	vst v2;
	v2 =	vld [tilespmem:s14+$0xFFFFFFE0]  }
0x154: {  	v7 =	vand.u32 $0xFFFF0000, v7;
	v5 =	vand.u32 $0xFFFF0000, v5;
	v6 =	vadd.f32 v6, v12;
	[tilespmem:s26+$0x10] =	vst v0;
	v0 =	vld [tilespmem:s12+$0xFFFFFFE0]  }
0x155: {  	v12 =	vand.u32 $0xFFFF0000, v9;
	v7 =	vadd.f32 v7, v11;
	v13 =	vand.u32 $0xFFFF0000, v8;
	v11 =	vld [tilespmem:s29+$0x10]  }
0x156: {  	[tilespmem:s26+$0xFFFFFF80] =	vst v6;
	v6 =	vld [tilespmem:s28+$0x10];
	v14 =	vshll.u32 v10, $0x10;
	v10 =	vand.u32 $0xFFFF0000, v10;
	v15 =	vshll.u32 v4, $0x10  }
0x157: {  	[tilespmem:s26+$0xFFFFFF90] =	vst v7;
	v12 =	vadd.f32 v13, v12;
	v4 =	vand.u32 $0xFFFF0000, v4;
	v7 =	vadd.f32 v15, v14  }
0x158: {  	s0 =	simm.s32 $0x4FE0;
	v13 =	vshll.u32 v1, $0x10;
	v14 =	vld [tilespmem:s29+$0xFFFFFFD0];
	v4 =	vadd.f32 v4, v10;
	v1 =	vand.u32 $0xFFFF0000, v1  }
0x159: {  	s21 =	simm.s32 $0x6FE0;
	v9 =	vshll.u32 v9, $0x10;
	v10 =	vld [tilespmem:s0+$0x0];
	v3 =	vadd.f32 v13, v3;
	v1 =	vadd.f32 v1, v5;
	[tilespmem:s24+$0x40] =	vst v7  }
0x15a: {  	v5 =	vshll.u32 v2, $0x10;
	v2 =	vand.u32 $0xFFFF0000, v2;
	v7 =	vshll.u32 v8, $0x10;
	v8 =	vld [tilespmem:s21+$0x0];
	[tilespmem:s24+$0x50] =	vst v4  }
0x15b: {  	[tilespmem:s25+$0x70] =	vst v12;
	v4 =	vshll.u32 v0, $0x10;
	v13 =	vshll.u32 v11, $0x10;
	v15 =	vshll.u32 v6, $0x10;
	v16 =	vld [tilespmem:s20+$0x30]  }
0x15c: {  	v11 =	vand.u32 $0xFFFF0000, v11;
	v6 =	vand.u32 $0xFFFF0000, v6;
	[tilespmem:s24+$0xFFFFFFA0] =	vst v3;
	v3 =	vld [tilespmem:s21+$0xFFFFFFC0];
	v12 =	vadd.f32 v15, v13  }
0x15d: {  	v0 =	vand.u32 $0xFFFF0000, v0;
	v4 =	vadd.f32 v4, v5;
	[tilespmem:s24+$0xFFFFFFB0] =	vst v1;
	v13 =	vld [tilespmem:s15+$0x30];
	v6 =	vadd.f32 v6, v11  }
0x15e: {  	v0 =	vadd.f32 v0, v2;
	v5 =	vld [tilespmem:s0+$0xFFFFFFC0];
	v7 =	vadd.f32 v7, v9;
	[tilespmem:s26+$0x20] =	vst v12  }
0x15f: {  	v2 =	vshll.u32 v14, $0x10;
	v11 =	vand.u32 $0xFFFF0000, v14;
	v9 =	vshll.u32 v10, $0x10;
	v12 =	vld [tilespmem:s28+$0xFFFFFFD0];
	[tilespmem:s26+$0x30] =	vst v6  }
0x160: {  	[tilespmem:s25+$0xFFFFFFC0] =	vst v4;
	v6 =	vand.u32 $0xFFFF0000, v10;
	v1 =	vshll.u32 v8, $0x10;
	v8 =	vand.u32 $0xFFFF0000, v8;
	v10 =	vld [tilespmem:s29+$0x20]  }
0x161: {  	[tilespmem:s25+$0xFFFFFFD0] =	vst v0;
	v1 =	vadd.f32 v1, v9;
	v4 =	vadd.f32 v8, v6;
	v6 =	vld [tilespmem:s28+$0x20];
	v8 =	vand.u32 $0xFFFF0000, v16  }
0x162: {  	s22 =	simm.s32 $0x91A0;
	v14 =	vld [tilespmem:s20+$0xFFFFFFE0];
	[tilespmem:s25+$0x60] =	vst v7;
	v9 =	vshll.u32 v3, $0x10;
	v3 =	vand.u32 $0xFFFF0000, v3;
	v0 =	vand.u32 $0xFFFF0000, v13  }
0x163: {  	v15 =	vld [tilespmem:s14+$0xFFFFFFF0];
	[tilespmem:s22+$0x0] =	vst v1;
	v0 =	vadd.f32 v0, v8;
	v1 =	vshll.u32 v5, $0x10;
	v5 =	vand.u32 $0xFFFF0000, v5  }
0x164: {  	v8 =	vld [tilespmem:s15+$0xFFFFFFE0];
	[tilespmem:s22+$0x10] =	vst v4;
	v4 =	vshll.u32 v16, $0x10;
	v1 =	vadd.f32 v9, v1;
	v9 =	vshll.u32 v12, $0x10  }
0x165: {  	v3 =	vadd.f32 v3, v5;
	v5 =	vld [tilespmem:s0+$0x10];
	[tilespmem:s24+$0x70] =	vst v0;
	v0 =	vadd.f32 v9, v2;
	v2 =	vand.u32 $0xFFFF0000, v12  }
0x166: {  	v9 =	vshll.u32 v13, $0x10;
	v12 =	vshll.u32 v10, $0x10;
	[tilespmem:s22+$0xFFFFFF80] =	vst v1;
	v1 =	vld [tilespmem:s21+$0x10];
	v13 =	vshll.u32 v6, $0x10  }
0x167: {  	v10 =	vand.u32 $0xFFFF0000, v10;
	[tilespmem:s22+$0xFFFFFF90] =	vst v3;
	v6 =	vand.u32 $0xFFFF0000, v6;
	v3 =	vadd.f32 v13, v12;
	v12 =	vld [tilespmem:s12+$0xFFFFFFF0]  }
0x168: {  	v2 =	vadd.f32 v2, v11;
	v7 =	vld [tilespmem:s0+$0xFFFFFFD0];
	s12 =	simm.s32 $0x5060;
	v6 =	vadd.f32 v6, v10;
	v10 =	vshll.u32 v14, $0x10;
	[tilespmem:s26+$0xFFFFFFA0] =	vst v0  }
0x169: {  	s3 =	simm.s32 $0x7060;
	v0 =	vand.u32 $0xFFFF0000, v15;
	v11 =	vshll.u32 v8, $0x10;
	v13 =	vld [tilespmem:s12+$0x0];
	v8 =	vand.u32 $0xFFFF0000, v8;
	[tilespmem:s26+$0x40] =	vst v3  }
0x16a: {  	v3 =	vand.u32 $0xFFFF0000, v14;
	v10 =	vadd.f32 v11, v10;
	v11 =	vld [tilespmem:s3+$0x0];
	[tilespmem:s26+$0x50] =	vst v6;
	v6 =	vshll.u32 v15, $0x10  }
0x16b: {  	v3 =	vadd.f32 v8, v3;
	v8 =	vshll.u32 v5, $0x10;
	v15 =	vld [tilespmem:s29+$0x30];
	v14 =	vshll.u32 v1, $0x10  }
0x16c: {  	[tilespmem:s26+$0xFFFFFFB0] =	vst v2;
	v5 =	vand.u32 $0xFFFF0000, v5;
	v1 =	vand.u32 $0xFFFF0000, v1;
	v2 =	vadd.f32 v14, v8;
	v14 =	vld [tilespmem:s28+$0x30]  }
0x16d: {  	v9 =	vadd.f32 v9, v4;
	[tilespmem:s24+$0xFFFFFFC0] =	vst v10;
	v8 =	vld [tilespmem:s3+$0xFFFFFFC0];
	v10 =	vshll.u32 v7, $0x10;
	v5 =	vadd.f32 v1, v5  }
0x16e: {  	v16 =	vand.u32 $0xFFFF0000, v7;
	v7 =	vld [tilespmem:s12+$0xFFFFFFC0];
	v1 =	vand.u32 $0xFFFF0000, v12;
	[tilespmem:s22+$0x20] =	vst v2;
	v2 =	vshll.u32 v12, $0x10  }
0x16f: {  	v4 =	vshll.u32 v13, $0x10;
	v12 =	vshll.u32 v11, $0x10;
	[tilespmem:s22+$0x30] =	vst v5;
	v5 =	vld [tilespmem:s21+$0xFFFFFFD0];
	v2 =	vadd.f32 v2, v6  }
0x170: {  	[tilespmem:s24+$0xFFFFFFD0] =	vst v3;
	v3 =	vadd.f32 v12, v4;
	v4 =	vand.u32 $0xFFFF0000, v13;
	v6 =	vand.u32 $0xFFFF0000, v11;
	v11 =	vld [tilespmem:s0+$0x20]  }
0x171: {  	[tilespmem:s24+$0x60] =	vst v9;
	v13 =	vld [tilespmem:s21+$0x20];
	v12 =	vand.u32 $0xFFFF0000, v15;
	v4 =	vadd.f32 v6, v4;
	v17 =	vand.u32 $0xFFFF0000, v14  }
0x172: {  	s14 =	simm.s32 $0x92A0;
	v6 =	vld [tilespmem:s29+$0xFFFFFFE0];
	[tilespmem:s25+$0xFFFFFFE0] =	vst v2;
	v18 =	vshll.u32 v8, $0x10;
	v8 =	vand.u32 $0xFFFF0000, v8;
	v2 =	vshll.u32 v15, $0x10  }
0x173: {  	[tilespmem:s14+$0x0] =	vst v3;
	v3 =	vadd.f32 v17, v12;
	v12 =	vshll.u32 v7, $0x10;
	v17 =	vand.u32 $0xFFFF0000, v7;
	v7 =	vld [tilespmem:s28+$0xFFFFFFE0]  }
0x174: {  	[tilespmem:s14+$0x10] =	vst v4;
	v4 =	vld [tilespmem:s20+$0xFFFFFFF0];
	v12 =	vadd.f32 v18, v12;
	v15 =	vadd.f32 v8, v17;
	v17 =	vshll.u32 v5, $0x10  }
0x175: {  	v8 =	vld [tilespmem:s12+$0x10];
	v5 =	vand.u32 $0xFFFF0000, v5;
	[tilespmem:s26+$0x70] =	vst v3;
	v17 =	vadd.f32 v17, v10;
	v3 =	vshll.u32 v14, $0x10  }
0x176: {  	v10 =	vld [tilespmem:s3+$0x10];
	v9 =	vadd.f32 v5, v16;
	v5 =	vshll.u32 v11, $0x10;
	[tilespmem:s14+$0xFFFFFF80] =	vst v12;
	v12 =	vshll.u32 v13, $0x10  }
0x177: {  	v14 =	vand.u32 $0xFFFF0000, v11;
	[tilespmem:s14+$0xFFFFFF90] =	vst v15;
	v13 =	vand.u32 $0xFFFF0000, v13;
	v12 =	vadd.f32 v12, v5;
	v5 =	vld [tilespmem:s15+$0xFFFFFFF0]  }
0x178: {  	s4 =	simm.s32 $0x50E0;
	s20 =	simm.s32 $0x8;
	v11 =	vld [tilespmem:s12+$0xFFFFFFD0];
	[tilespmem:s22+$0xFFFFFFA0] =	vst v17;
	v15 =	vadd.f32 v13, v14;
	v13 =	vshll.u32 v6, $0x10;
	s15 =	simm.s32 $0x7060;
	v14 =	vshll.u32 v7, $0x10  }
.LBB2_8:
0x179: {  	v16 =	vld [tilespmem:s4+$0x0];
	s3 =	sadd.s32 $0x80, s3;
	[tilespmem:s22+$0x40] =	vst v12;
	v12 =	vadd.f32 v14, v13;
	v6 =	vand.u32 $0xFFFF0000, v6;
	v7 =	vand.u32 $0xFFFF0000, v7  }
0x17a: {  	v13 =	vld [tilespmem:s3+$0x0];
	[tilespmem:s22+$0x50] =	vst v15;
	v6 =	vadd.f32 v7, v6;
	v7 =	vshll.u32 v4, $0x10;
	v4 =	vand.u32 $0xFFFF0000, v4  }
0x17b: {  	v17 =	vadd.f32 v1, v0;
	v14 =	vshll.u32 v8, $0x10;
	v15 =	vshll.u32 v10, $0x10;
	[tilespmem:s22+$0xFFFFFFB0] =	vst v9;
	v9 =	vld [tilespmem:s0+$0x30];
	v0 =	vmovc v4  }
0x17c: {  	v4 =	vand.u32 $0xFFFF0000, v8;
	v8 =	vand.u32 $0xFFFF0000, v10;
	v1 =	vadd.f32 v15, v14;
	v10 =	vld [tilespmem:s21+$0x30];
	[tilespmem:s26+$0xFFFFFFC0] =	vst v12  }
0x17d: {  	v4 =	vadd.f32 v8, v4;
	v12 =	vld [tilespmem:s3+$0xFFFFFFC0];
	v14 =	vshll.u32 v11, $0x10;
	v11 =	vand.u32 $0xFFFF0000, v11;
	[tilespmem:s26+$0xFFFFFFD0] =	vst v6  }
0x17e: {  	v15 =	vadd.f32 v3, v2;
	v2 =	vshll.u32 v5, $0x10;
	v8 =	vld [tilespmem:s4+$0xFFFFFFC0];
	[tilespmem:s14+$0x20] =	vst v1;
	v1 =	vand.u32 $0xFFFF0000, v5  }
0x17f: {  	v2 =	vadd.f32 v2, v7;
	v3 =	vshll.u32 v16, $0x10;
	v5 =	vshll.u32 v13, $0x10;
	v18 =	vld [tilespmem:s15+$0xFFFFFFD0];
	[tilespmem:s14+$0x30] =	vst v4  }
0x180: {  	v4 =	vand.u32 $0xFFFF0000, v16;
	v3 =	vadd.f32 v5, v3;
	v5 =	vand.u32 $0xFFFF0000, v13;
	v13 =	vld [tilespmem:s12+$0x20];
	[tilespmem:s25+$0xFFFFFFF0] =	vst v17;
	s25 =	smov.u32 s24;
	s24 =	smov.u32 s26;
	s26 =	smov.u32 s22  }
0x181: {  	s20 =	sadd.s32 $0x2, s20;
	v7 =	vand.u32 $0xFFFF0000, v9;
	s22 =	smov.u32 s14;
	s14 =	sadd.s32 $0x100, s14;
	v4 =	vadd.f32 v5, v4;
	v5 =	vld [tilespmem:s15+$0x20];
	v16 =	vand.u32 $0xFFFF0000, v10;
	[tilespmem:s25+$0xFFFFFFE0] =	vst v2  }
0x182: {  	p1 =	slt.u32 s20, $0xE;
	v17 =	vshll.u32 v12, $0x10;
	v12 =	vand.u32 $0xFFFF0000, v12;
	[tilespmem:s14+$0x0] =	vst v3;
	v6 =	vld [tilespmem:s0+$0xFFFFFFE0];
	v3 =	vadd.f32 v16, v7  }
0x183: {  	v2 =	vshll.u32 v9, $0x10;
	v16 =	vshll.u32 v8, $0x10;
	v8 =	vand.u32 $0xFFFF0000, v8;
	[tilespmem:s14+$0x10] =	vst v4;
	v7 =	vld [tilespmem:s21+$0xFFFFFFE0]  }
.Ltmp3:
0x184: {  	v9 =	vadd.f32 v17, v16;
	v12 =	vadd.f32 v12, v8;
	v16 =	vshll.u32 v18, $0x10;
	[tilespmem:s26+$0x70] =	vst v3;
	v4 =	vld [tilespmem:s29+$0xFFFFFFF0];
	s29 =	smov.u32 s0;
	s0 =	smov.u32 s12;
	(pc) =	sbr.rel @p1 .LBB2_8-.Ltmp3, $4  }
0x185: {  	v3 =	vshll.u32 v10, $0x10;
	s12 =	smov.u32 s4;
	v8 =	vld [tilespmem:s4+$0x10];
	v14 =	vadd.f32 v16, v14;
	v16 =	vand.u32 $0xFFFF0000, v18;
	[tilespmem:s24+$0x60] =	vst v15  }
0x186: {  	[tilespmem:s14+$0xFFFFFF80] =	vst v9;
	v10 =	vld [tilespmem:s3+$0x10];
	v9 =	vadd.f32 v16, v11;
	v11 =	vshll.u32 v13, $0x10;
	v15 =	vshll.u32 v5, $0x10  }
0x187: {  	v13 =	vand.u32 $0xFFFF0000, v13;
	[tilespmem:s14+$0xFFFFFF90] =	vst v12;
	v12 =	vadd.f32 v15, v11;
	v15 =	vand.u32 $0xFFFF0000, v5;
	v5 =	vld [tilespmem:s28+$0xFFFFFFF0];
	s28 =	smov.u32 s21;
	s21 =	smov.u32 s15;
	s15 =	smov.u32 s3  }
0x188: {  	s4 =	sadd.s32 $0x80, s4;
	v11 =	vld [tilespmem:s12+$0xFFFFFFD0];
	[tilespmem:s22+$0xFFFFFFA0] =	vst v14;
	v15 =	vadd.f32 v15, v13;
	v13 =	vshll.u32 v6, $0x10;
	v14 =	vshll.u32 v7, $0x10  }
0x189: {  	v56 =	vld [tilespmem:s15+$0xFFFFFFD0];
	_ =	sdelay $0x2  }
0x18a: {  	[tilespmem:s22+$0x40] =	vst v12;
	v16 =	vshll.u32 v8, $0x10;
	v17 =	vshll.u32 v10, $0x10  }
0x18b: {  	[tilespmem:s22+$0xFFFFFFB0] =	vst v9;
	v54 =	vand.u32 $0xFFFF0000, v8;
	v55 =	vand.u32 $0xFFFF0000, v10;
	v16 =	vadd.f32 v17, v16  }
0x18c: {  	[tilespmem:s22+$0x50] =	vst v15;
	v8 =	vadd.f32 v55, v54;
	v57 =	vshll.u32 v11, $0x10;
	v59 =	vshll.u32 v56, $0x10  }
0x18d: {  	v18 =	vld [tilespmem:s0+$0xFFFFFFE0];
	v62 =	vand.u32 $0xFFFF0000, v11;
	[tilespmem:s14+$0x20] =	vst v16;
	v63 =	vand.u32 $0xFFFF0000, v56;
	v60 =	vadd.f32 v59, v57  }
0x18e: {  	v19 =	vld [tilespmem:s21+$0xFFFFFFE0];
	[tilespmem:s14+$0x30] =	vst v8;
	v11 =	vadd.f32 v63, v62  }
0x18f: {  	v13 =	vadd.f32 v14, v13;
	v8 =	vld [tilespmem:s12+$0x20];
	[tilespmem:s14+$0xFFFFFFA0] =	vst v60  }
0x190: {  	v0 =	vadd.f32 v1, v0;
	v58 =	vld [tilespmem:s15+$0x20];
	[tilespmem:s14+$0xFFFFFFB0] =	vst v11  }
0x191: {  	v6 =	vand.u32 $0xFFFF0000, v6;
	v7 =	vand.u32 $0xFFFF0000, v7;
	v2 =	vadd.f32 v3, v2;
	[tilespmem:s26+$0xFFFFFFC0] =	vst v13;
	v11 =	vld [tilespmem:s12+$0xFFFFFFE0]  }
0x192: {  	v26 =	vshll.u32 v4, $0x10;
	v6 =	vadd.f32 v7, v6;
	[tilespmem:s25+$0xFFFFFFF0] =	vst v0;
	v27 =	vshll.u32 v5, $0x10;
	v25 =	vld [tilespmem:s15+$0xFFFFFFE0]  }
0x193: {  	[tilespmem:s26+$0x60] =	vst v2;
	v29 =	vadd.f32 v27, v26;
	v31 =	vshll.u32 v18, $0x10;
	v32 =	vshll.u32 v19, $0x10  }
0x194: {  	v61 =	vld [tilespmem:s0+$0x30];
	[tilespmem:s26+$0xFFFFFFD0] =	vst v6;
	v34 =	vand.u32 $0xFFFF0000, v18;
	v14 =	vand.u32 $0xFFFF0000, v19;
	v12 =	vadd.f32 v32, v31  }
0x195: {  	v20 =	vld [tilespmem:s21+$0x30];
	[tilespmem:s24+$0xFFFFFFE0] =	vst v29;
	v37 =	vadd.f32 v14, v34;
	v21 =	vshll.u32 v8, $0x10;
	v22 =	vshll.u32 v58, $0x10  }
0x196: {  	v30 =	vld [tilespmem:s29+$0xFFFFFFF0];
	[tilespmem:s22+$0xFFFFFFC0] =	vst v12;
	v23 =	vand.u32 $0xFFFF0000, v8;
	v24 =	vand.u32 $0xFFFF0000, v58;
	v1 =	vadd.f32 v22, v21  }
0x197: {  	v33 =	vld [tilespmem:s28+$0xFFFFFFF0];
	[tilespmem:s22+$0xFFFFFFD0] =	vst v37;
	v28 =	vadd.f32 v24, v23;
	v40 =	vshll.u32 v11, $0x10;
	v41 =	vshll.u32 v25, $0x10  }
0x198: {  	v43 =	vld [tilespmem:s0+$0xFFFFFFF0];
	[tilespmem:s14+$0x40] =	vst v1;
	v11 =	vand.u32 $0xFFFF0000, v11;
	v9 =	vand.u32 $0xFFFF0000, v25;
	v42 =	vadd.f32 v41, v40  }
0x199: {  	v44 =	vand.u32 $0xFFFF0000, v4;
	v45 =	vand.u32 $0xFFFF0000, v5;
	v46 =	vld [tilespmem:s21+$0xFFFFFFF0];
	[tilespmem:s14+$0x50] =	vst v28;
	v9 =	vadd.f32 v9, v11  }
0x19a: {  	v3 =	vadd.f32 v45, v44;
	v35 =	vand.u32 $0xFFFF0000, v61;
	v36 =	vand.u32 $0xFFFF0000, v20;
	v38 =	vld [tilespmem:s12+$0x30];
	[tilespmem:s14+$0xFFFFFFC0] =	vst v42  }
0x19b: {  	v10 =	vshll.u32 v61, $0x10;
	v7 =	vshll.u32 v20, $0x10;
	v0 =	vadd.f32 v36, v35;
	v39 =	vld [tilespmem:s15+$0x30];
	[tilespmem:s14+$0xFFFFFFD0] =	vst v9  }
0x19c: {  	[tilespmem:s24+$0xFFFFFFF0] =	vst v3;
	v7 =	vadd.f32 v7, v10;
	v47 =	vshll.u32 v30, $0x10;
	v48 =	vshll.u32 v33, $0x10;
	v9 =	vld [tilespmem:s12+$0xFFFFFFF0]  }
0x19d: {  	v54 =	vand.u32 $0xFFFF0000, v30;
	[tilespmem:s22+$0x70] =	vst v0;
	v49 =	vadd.f32 v48, v47;
	v1 =	vand.u32 $0xFFFF0000, v33;
	v53 =	vld [tilespmem:s15+$0xFFFFFFF0]  }
0x19e: {  	[tilespmem:s22+$0x60] =	vst v7;
	v55 =	vshll.u32 v43, $0x10;
	v1 =	vadd.f32 v1, v54;
	v56 =	vshll.u32 v46, $0x10  }
0x19f: {  	[tilespmem:s26+$0xFFFFFFE0] =	vst v49;
	v0 =	vand.u32 $0xFFFF0000, v43;
	v5 =	vand.u32 $0xFFFF0000, v46;
	v2 =	vadd.f32 v56, v55  }
0x1a0: {  	v0 =	vadd.f32 v5, v0;
	[tilespmem:s26+$0xFFFFFFF0] =	vst v1;
	v50 =	vand.u32 $0xFFFF0000, v38;
	v51 =	vand.u32 $0xFFFF0000, v39  }
0x1a1: {  	[tilespmem:s22+$0xFFFFFFE0] =	vst v2;
	v57 =	vshll.u32 v38, $0x10;
	v58 =	vshll.u32 v39, $0x10;
	v52 =	vadd.f32 v51, v50  }
0x1a2: {  	[tilespmem:s22+$0xFFFFFFF0] =	vst v0;
	v59 =	vadd.f32 v58, v57;
	v60 =	vshll.u32 v9, $0x10;
	v61 =	vshll.u32 v53, $0x10  }
0x1a3: {  	[tilespmem:s14+$0x70] =	vst v52;
	v62 =	vand.u32 $0xFFFF0000, v9;
	v4 =	vand.u32 $0xFFFF0000, v53;
	v1 =	vadd.f32 v61, v60  }
0x1a4: {  	[tilespmem:s14+$0x60] =	vst v59;
	v63 =	vadd.f32 v4, v62  }
0x1a5: {  	[tilespmem:s14+$0xFFFFFFE0] =	vst v1  }
0x1a6: {  	s23 =	sadd.s32 $0x1, s23;
	s0 =	simm.s32 @p0 $0x3;
	[tilespmem:s14+$0xFFFFFFF0] =	vst v63  }
0x1a7: {  	p1 =	sne.s32 s23, s9;
	_ =	swait.ge @p0 [sflag:s0], $0x1380  }
.Ltmp4:
0x1a8: {  	[sflag:s0] =	ssyncset.done @p0 $0x0;
	(pc) =	sbr.rel @p1 .LBB2_1-.Ltmp4, $4  }
0x1a9: {  	[sflag:s0] =	ssyncadd.s32 @p0 $0xFFFFEC80;
	s0 =	simm.s32 @!p0 $0x3  }
0x1aa: {  	_ =	swait.ge @!p0 [sflag:s0], $0x1400  }
0x1ab: {  	[sflag:s0] =	ssyncset.done @!p0 $0x0  }
0x1ac: {  	[sflag:s0] =	ssyncadd.s32 @!p0 $0xFFFFEC00  }
0x1ad: {  	_ =	sfence.sel $0x180000  }
0x1ae: {  	[bflag:$0x0] =	sbarrier.arrive $0xFFFF  }
0x1af: {  	_ =	strace $0x90000047  }
0x1b0: {  	[bflag:$0x2] =	sbarrier.arrive $0xFFFF  }
0x1b1: {  	s0 =	rddreg [dreg:$0x3]  }
0x1b2: {  	s0 =	sadd.s32 @!p0 $0x100000, s0  }
0x1b3: {  	[sflag:s0] =	ssyncadd.tile.s32 @!p0 $0x1;
	_ =	shalt  }
.Lfunc_end2:
_tile_overlayer_lowered:
.L_overlay_start_2:
0x1b4: {  	(tag) =	ssettag $0x2  }
0x1b5: {  	s0 =	rddreg [dreg:$0x0];
	s2 =	stileid.u32  }
0x1b6: {  	s1 =	rddreg [dreg:$0x1];
	p0 =	sne.s32 s2, $0x0  }
0x1b7: {  	s3 =	rddreg [dreg:$0x2];
	[bflag:$0x3] =	sbarrier.arrive $0xFFFF;
	s2 =	simm.s32 @!p0 $0x1C04  }
0x1b8: {  	[timem:s3], [sflag:s2] =	dma.local @!p0 [hbm:s0], s1  }
0x1b9: {  	s0 =	simm.s32 @!p0 $0x4  }
0x1ba: {  	_ =	swait.ge @!p0 [sflag:s0], s1  }
0x1bb: {  	s1 =	ssub.s32 @!p0 $0x0, s1;
	[sflag:s0] =	ssyncset.done @!p0 $0x0  }
0x1bc: {  	[sflag:s0] =	ssyncadd.s32 @!p0 s1  }
0x1bd: {  	[bflag:$0x3] =	sbarrier.arrive $0xFFFF  }
0x1be: {  	_ =	shalt  }

</sc_bundles>
